<compile_context>
chip_gen: v7x
topology: tpu7x:2x2x1
jax: 0.10.2.dev20260603
libtpu: 0.0.44.dev20260713+nightly
codegen_flags: <defaults>
</compile_context>

<pallas_src>
import functools

import jax
import jax.numpy as jnp
from jax import lax
from jax.experimental import pallas as pl
from jax.experimental.pallas import tpu as pltpu
from jax.experimental.pallas import tpu_sc as plsc

N_NODES = 100000
E_EDGES = 1600000
NC, NS, L = 2, 16, 16
NP = 100352
NPT = NP // NS
E_PER_TILE = E_EDGES // NS
E_PER_WORKER = E_EDGES // (NC * NS)
CH = 10000

_MESH = plsc.VectorSubcoreMesh(
    core_axis_name="c", subcore_axis_name="s", num_cores=NC, num_subcores=NS)


@functools.partial(
    pl.kernel,
    out_type=(
        jax.ShapeDtypeStruct((NC, NS, NP), jnp.float32),
        jax.ShapeDtypeStruct((NC, NS, NP), jnp.float32),
    ),
    mesh=_MESH,
    compiler_params=pltpu.CompilerParams(needs_layout_passes=False),
    scratch_types=[
        pltpu.VMEM((NP,), jnp.float32),
        pltpu.VMEM((CH,), jnp.int32),
        pltpu.VMEM((CH,), jnp.float32),
        pltpu.VMEM_SHARED((NP,), jnp.float32),
    ],
)
def _sc_kernel(src_hbm, dst_hbm, degp_hbm, wp_hbm,
               part_v, idx_v, val_v, dis_sh):
    c = lax.axis_index("c")
    s = lax.axis_index("s")
    ones16 = jnp.full((L,), 1.0, jnp.float32)
    zeros16 = jnp.zeros((L,), jnp.float32)

    def zero_part(_unused):
        def body(i, carry):
            part_v[pl.ds(i * L, L)] = zeros16
            return carry
        lax.fori_loop(0, NP // L, body, 0)

    zero_part(None)

    def hchunk(i, carry):
        pltpu.sync_copy(dst_hbm.at[pl.ds(s * E_PER_TILE + i * CH, CH)], idx_v)

        def hbody(j, carry2):
            ix = idx_v[pl.ds(j * L, L)]
            plsc.addupdate_scatter(part_v, [ix], ones16)
            return carry2

        lax.fori_loop(0, CH // L, hbody, 0)
        return carry

    lax.fori_loop(0, E_PER_TILE // CH, hchunk, 0)
    pltpu.sync_copy(part_v, degp_hbm.at[c, s])
    plsc.subcore_barrier()

    for t in range(NS):
        pltpu.sync_copy(degp_hbm.at[c, t, pl.ds(s * NPT, NPT)],
                        part_v.at[pl.ds(t * NPT, NPT)])

    def dbody(j, carry):
        acc = part_v[pl.ds(j * L, L)]
        for t in range(1, NS):
            acc = acc + part_v[pl.ds(t * NPT + j * L, L)]
        d = acc + 1.0
        h = 0.5 * d
        bits = lax.bitcast_convert_type(d, jnp.int32)
        y = lax.bitcast_convert_type(
            0x5F3759DF - lax.shift_right_logical(bits, 1), jnp.float32)
        y = y * (1.5 - h * y * y)
        y = y * (1.5 - h * y * y)
        y = y * (1.5 - h * y * y)
        part_v[pl.ds(j * L, L)] = y
        return carry

    lax.fori_loop(0, NPT // L, dbody, 0)
    pltpu.sync_copy(part_v.at[pl.ds(0, NPT)], dis_sh.at[pl.ds(s * NPT, NPT)])
    plsc.subcore_barrier()

    zero_part(None)
    wid = s * NC + c

    def echunk(i, carry):
        base = wid * E_PER_WORKER + i * CH
        pltpu.sync_copy(dst_hbm.at[pl.ds(base, CH)], idx_v)
        pltpu.sync_copy(dis_sh.at[idx_v], val_v)
        pltpu.sync_copy(src_hbm.at[pl.ds(base, CH)], idx_v)

        def ebody(j, carry2):
            ix = idx_v[pl.ds(j * L, L)]
            v = val_v[pl.ds(j * L, L)]
            plsc.addupdate_scatter(part_v, [ix], v)
            return carry2

        lax.fori_loop(0, CH // L, ebody, 0)
        return carry

    lax.fori_loop(0, E_PER_WORKER // CH, echunk, 0)
    pltpu.sync_copy(part_v, wp_hbm.at[c, s])


def _b16(a):
    return a.astype(jnp.bfloat16).astype(jnp.float32)


def _tc_tail_body(degp_ref, wp_ref, x3_ref, W0_ref, Wi_ref, Wh_ref,
                  b_ref, W1_ref, b1_ref, W2_ref, b2_ref, out_ref):
    dotH = functools.partial(jnp.dot, precision=lax.Precision.HIGHEST)

    W = W0_ref[...]
    h = W
    cst = jnp.zeros_like(W)
    Wi = _b16(Wi_ref[...])
    Wh = _b16(Wh_ref[...])
    b = b_ref[...]
    for _ in range(8):
        gates = dotH(_b16(W), Wi) + dotH(_b16(h), Wh) + b
        i_g, f_g, g_g, o_g = jnp.split(gates, 4, axis=-1)
        cst = jax.nn.sigmoid(f_g) * cst + jax.nn.sigmoid(i_g) * jnp.tanh(g_g)
        h = jax.nn.sigmoid(o_g) * jnp.tanh(cst)
        W = h

    deg = jnp.sum(degp_ref[...], axis=0) + 1.0
    dis = lax.rsqrt(deg)
    w = jnp.sum(wp_ref[...], axis=0)
    coef = dis * w + dis * dis

    xb = _b16(x3_ref[...])
    s0 = jnp.sum(coef * xb[0])
    s1 = jnp.sum(coef * xb[1])
    s2 = jnp.sum(coef * xb[2])

    Wb = _b16(W)
    g = (s0 * Wb[0] + s1 * Wb[1] + s2 * Wb[2]) * (1.0 / N_NODES)
    hid = jnp.maximum(
        dotH(_b16(g[None, :]), _b16(W1_ref[...])) + b1_ref[...][None, :], 0.0)
    out_ref[...] = (dotH(_b16(hid), _b16(W2_ref[...]))
                    + b2_ref[...][None, :])


_tc_tail = pl.pallas_call(
    _tc_tail_body,
    out_shape=jax.ShapeDtypeStruct((1, 2), jnp.float32),
)


def kernel(x_seq, edge_index_seq, W0, lstm_Wi, lstm_Wh, lstm_b, W1, b1, W2, b2):
    src = edge_index_seq[-1, 0].astype(jnp.int32)
    dst = edge_index_seq[-1, 1].astype(jnp.int32)
    x3 = jnp.pad(x_seq[-1].T, ((0, 0), (0, NP - N_NODES)))
    x3 = x3.reshape(3, NP // 128, 128)

    degp, wp = _sc_kernel(src, dst)

    r = (NP // 128, 128)
    return _tc_tail(degp[0].reshape((NS,) + r), wp.reshape((NC * NS,) + r),
                    x3, W0, lstm_Wi, lstm_Wh, lstm_b, W1, b1, W2, b2)

# --- scband reference (transcript-rebuilt; emitter-appended) ---
"""Pipeline reference for scband-satellite-evolve-gcn-41180146434325 (READ-ONLY COPY).

The authoritative reference and input builder live on the scoring server;
editing this copy changes nothing except your own understanding.
"""

import jax, jax.numpy as jnp
import numpy as np

T, N, E = 8, 100000, 1600000
DIN, DH, DOUT = 3, 64, 2


def setup_inputs(seed: int = 0) -> dict:
    key = jax.random.key(seed)
    ks = jax.random.split(key, 10)
    x_seq = jax.random.normal(ks[0], (T, N, DIN), dtype=jnp.float32)
    edge_index_seq = jax.random.randint(ks[1], (T, 2, E), 0, N, dtype=jnp.int32).astype(jnp.int64)
    # EvolveGCN-O parameters: initial GCN weight (also initial LSTM hidden state)
    W0 = jax.random.normal(ks[2], (DIN, DH), dtype=jnp.float32) * (1.0 / np.sqrt(DIN))
    # LSTM cell evolving the weight matrix row-wise (input=out_channels, hidden=out_channels)
    lstm_Wi = jax.random.normal(ks[3], (DH, 4 * DH), dtype=jnp.float32) * (1.0 / np.sqrt(DH))
    lstm_Wh = jax.random.normal(ks[4], (DH, 4 * DH), dtype=jnp.float32) * (1.0 / np.sqrt(DH))
    lstm_b = jnp.zeros((4 * DH,), dtype=jnp.float32)
    # classifier MLP: hidden -> hidden//2 -> output
    W1 = jax.random.normal(ks[5], (DH, DH // 2), dtype=jnp.float32) * (1.0 / np.sqrt(DH))
    b1 = jnp.zeros((DH // 2,), dtype=jnp.float32)
    W2 = jax.random.normal(ks[6], (DH // 2, DOUT), dtype=jnp.float32) * (1.0 / np.sqrt(DH // 2))
    b2 = jnp.zeros((DOUT,), dtype=jnp.float32)
    return {"x_seq": x_seq, "edge_index_seq": edge_index_seq, "W0": W0,
            "lstm_Wi": lstm_Wi, "lstm_Wh": lstm_Wh, "lstm_b": lstm_b,
            "W1": W1, "b1": b1, "W2": W2, "b2": b2}


def _gcn_step(x, src, dst, W, n_nodes):
    # GCN with added self-loops and symmetric normalization
    self_loop = jnp.arange(n_nodes, dtype=src.dtype)
    src_f = jnp.concatenate([src, self_loop])
    dst_f = jnp.concatenate([dst, self_loop])
    deg = jax.ops.segment_sum(jnp.ones_like(src_f, dtype=jnp.float32), dst_f, num_segments=n_nodes)
    dis = jnp.where(deg > 0, jax.lax.rsqrt(jnp.maximum(deg, 1e-12)), 0.0)
    norm = dis[src_f] * dis[dst_f]
    xw = x @ W
    msg = xw[src_f] * norm[:, None]
    return jax.ops.segment_sum(msg, dst_f, num_segments=n_nodes)


def reference(x_seq, edge_index_seq, W0, lstm_Wi, lstm_Wh, lstm_b, W1, b1, W2, b2):
    n_steps = x_seq.shape[0]
    n_nodes = x_seq.shape[1]
    # EvolveGCN-O: GCN weight is the hidden state of an LSTM; weight fed as its own input
    W = W0
    h = W0
    c = jnp.zeros_like(W0)
    node_emb = None
    for t in range(n_steps):
        gates = W @ lstm_Wi + h @ lstm_Wh + lstm_b
        i_g, f_g, g_g, o_g = jnp.split(gates, 4, axis=-1)
        c = jax.nn.sigmoid(f_g) * c + jax.nn.sigmoid(i_g) * jnp.tanh(g_g)
        h = jax.nn.sigmoid(o_g) * jnp.tanh(c)
        W = h
        node_emb = _gcn_step(x_seq[t], edge_index_seq[t, 0], edge_index_seq[t, 1], W, n_nodes)
    # global mean pool over nodes of the final snapshot (single graph => batch of all zeros)
    graph_emb = jnp.mean(node_emb, axis=0, keepdims=True)
    # classifier MLP (dropout inactive at inference)
    hid = jax.nn.relu(graph_emb @ W1 + b1)
    logits = hid @ W2 + b2
    return logits

if __name__ == "__main__":
    import jax
    _d = setup_inputs()
    print(jax.jit(kernel)(*tuple(_d.values())))

</pallas_src>

<mosaic_0001>
#map = affine_map<(d0, d1) -> (0)>
#map1 = affine_map<(d0, d1) -> (0, 0, 0)>
module attributes {stable_mosaic.version = 14 : i64} {
  func.func @_sc_kernel(%arg0: i32, %arg1: i32, %arg2: memref<1600000xi32, #tpu.memory_space<hbm>>, %arg3: memref<1600000xi32, #tpu.memory_space<hbm>>, %arg4: memref<2x16x100352xf32, #tpu.memory_space<hbm>>, %arg5: memref<2x16x100352xf32, #tpu.memory_space<hbm>>, %arg6: memref<100352xf32, #tpu.memory_space<vmem>>, %arg7: memref<10000xi32, #tpu.memory_space<vmem>>, %arg8: memref<10000xf32, #tpu.memory_space<vmem>>, %arg9: memref<100352xf32, #tpu.memory_space<vmem_shared>>) attributes {dimension_semantics = [#tpu.dimension_semantics<core_parallel>, #tpu.dimension_semantics<subcore_parallel>], iteration_bounds = array<i64: 2, 16>, scalar_prefetch = 0 : i64, scratch_operands = 4 : i64, tpu.core_type = #tpu.core_type<sc_vector_subcore>, window_params = [{transform_indices = #map}, {transform_indices = #map}, {transform_indices = #map1}, {transform_indices = #map1}]} {
    %broadcast_in_dim3A = arith.constant 1.000000e+00 : f32
    %broadcast_in_dim3A_0 = vector.broadcast %broadcast_in_dim3A : f32 to vector<16xf32>
    %broadcast_in_dim3A_1 = arith.constant 0.000000e+00 : f32
    %broadcast_in_dim3A_2 = vector.broadcast %broadcast_in_dim3A_1 : f32 to vector<16xf32>
    %scan3A = arith.constant 0 : i32
    %scan3A_3 = arith.constant 0 : i32
    %scan3A_4 = arith.constant 6272 : i32
    %scan3A_5 = arith.addi %scan3A_3, %scan3A_4 : i32
    %scan3A_6 = arith.constant 1 : i32
    scf.for %scan3A_83 = %scan3A_3 to %scan3A_5 step %scan3A_6  : i32 {
      %mul3A_84 = arith.constant 16 : i32
      %mul3A_85 = arith.muli %scan3A_83, %mul3A_84 : i32
      %swap3A = arith.index_cast %mul3A_85 : i32 to index
      %swap3A_86 = tpu.vector_load %arg6[%swap3A] {strides = array<i32>} : memref<100352xf32, #tpu.memory_space<vmem>>, vector<16xf32>,
      tpu.vector_store %arg6[%swap3A], %broadcast_in_dim3A_2 {strides = array<i32>} : memref<100352xf32, #tpu.memory_space<vmem>>, vector<16xf32>,
    }
    %scan3A_7 = arith.constant 6272 : i32
    %scan3A_8 = arith.constant 0 : i32
    %scan3A_9 = arith.constant 0 : i32
    %scan3A_10 = arith.constant 10 : i32
    %scan3A_11 = arith.addi %scan3A_9, %scan3A_10 : i32
    %scan3A_12 = arith.constant 1 : i32
    scf.for %scan3A_83 = %scan3A_9 to %scan3A_11 step %scan3A_12  : i32 {
      %mul3A_84 = arith.constant 100000 : i32
      %mul3A_85 = arith.muli %arg1, %mul3A_84 : i32
      %mul3A_86 = arith.constant 10000 : i32
      %mul3A_87 = arith.muli %scan3A_83, %mul3A_86 : i32
      %add3A_88 = arith.addi %mul3A_85, %mul3A_87 : i32
      "tpu.region"() ({
        %run_scoped3A_95 = tpu.sem_alloc : memref<!tpu.dma_semaphore, #tpu.memory_space<semaphore_mem>>
        %dma_start3A = tpu.memref_slice %arg3[%add3A_88] : memref<1600000xi32, #tpu.memory_space<hbm>> -> memref<10000xi32, #tpu.memory_space<hbm>>
        %dma_start3A_96 = tpu.memref_slice %arg3[%add3A_88] : memref<1600000xi32, #tpu.memory_space<hbm>> -> memref<10000xi32, #tpu.memory_space<hbm>>
        tpu.enqueue_dma source(%dma_start3A_96 : memref<10000xi32, #tpu.memory_space<hbm>>) target(%arg7 : memref<10000xi32, #tpu.memory_space<vmem>>) target_semaphore(%run_scoped3A_95 : memref<!tpu.dma_semaphore, #tpu.memory_space<semaphore_mem>>)
        %dma_wait3A = tpu.memref_slice %arg3[%add3A_88] : memref<1600000xi32, #tpu.memory_space<hbm>> -> memref<10000xi32, #tpu.memory_space<hbm>>
        %dma_wait3A_97 = tpu.memref_slice %arg3[%add3A_88] : memref<1600000xi32, #tpu.memory_space<hbm>> -> memref<10000xi32, #tpu.memory_space<hbm>>
        tpu.wait_dma2 semaphore(%run_scoped3A_95 : memref<!tpu.dma_semaphore, #tpu.memory_space<semaphore_mem>>) src(%dma_wait3A_97 : memref<10000xi32, #tpu.memory_space<hbm>>) dst(%arg7 : memref<10000xi32, #tpu.memory_space<vmem>>)
        tpu.yield
      }) : () -> ()
      %scan3A_89 = arith.constant 0 : i32
      %scan3A_90 = arith.constant 0 : i32
      %scan3A_91 = arith.constant 625 : i32
      %scan3A_92 = arith.addi %scan3A_90, %scan3A_91 : i32
      %scan3A_93 = arith.constant 1 : i32
      scf.for %scan3A_95 = %scan3A_90 to %scan3A_92 step %scan3A_93  : i32 {
        %mul3A_96 = arith.constant 16 : i32
        %mul3A_97 = arith.muli %scan3A_95, %mul3A_96 : i32
        %get3A = arith.index_cast %mul3A_97 : i32 to index
        %get3A_98 = tpu.vector_load %arg7[%get3A] {strides = array<i32>} : memref<10000xi32, #tpu.memory_space<vmem>>, vector<16xi32>,
        tpu.vector_store_idx %arg6[%get3A_98], %broadcast_in_dim3A_0 {add = true} : memref<100352xf32, #tpu.memory_space<vmem>>[vector<16xi32>], vector<16xf32>,
      }
      %scan3A_94 = arith.constant 625 : i32
    }
    %scan3A_13 = arith.constant 10 : i32
    "tpu.region"() ({
      %run_scoped3A_83 = tpu.sem_alloc : memref<!tpu.dma_semaphore, #tpu.memory_space<semaphore_mem>>
      %dma_start3A = arith.constant 0 : i32
      %dma_start3A_84 = tpu.memref_slice %arg4[%arg0, %arg1, %dma_start3A] : memref<2x16x100352xf32, #tpu.memory_space<hbm>> -> memref<1x1x100352xf32, #tpu.memory_space<hbm>>
      %dma_start3A_85 = tpu.memref_squeeze %dma_start3A_84 : memref<1x1x100352xf32, #tpu.memory_space<hbm>> -> memref<100352xf32, #tpu.memory_space<hbm>>
      %dma_start3A_86 = arith.constant 0 : i32
      %dma_start3A_87 = tpu.memref_slice %arg4[%arg0, %arg1, %dma_start3A_86] : memref<2x16x100352xf32, #tpu.memory_space<hbm>> -> memref<1x1x100352xf32, #tpu.memory_space<hbm>>
      %dma_start3A_88 = tpu.memref_squeeze %dma_start3A_87 : memref<1x1x100352xf32, #tpu.memory_space<hbm>> -> memref<100352xf32, #tpu.memory_space<hbm>>
      tpu.enqueue_dma source(%arg6 : memref<100352xf32, #tpu.memory_space<vmem>>) target(%dma_start3A_88 : memref<100352xf32, #tpu.memory_space<hbm>>) target_semaphore(%run_scoped3A_83 : memref<!tpu.dma_semaphore, #tpu.memory_space<semaphore_mem>>)
      %dma_wait3A = arith.constant 0 : i32
      %dma_wait3A_89 = tpu.memref_slice %arg4[%arg0, %arg1, %dma_wait3A] : memref<2x16x100352xf32, #tpu.memory_space<hbm>> -> memref<1x1x100352xf32, #tpu.memory_space<hbm>>
      %dma_wait3A_90 = tpu.memref_squeeze %dma_wait3A_89 : memref<1x1x100352xf32, #tpu.memory_space<hbm>> -> memref<100352xf32, #tpu.memory_space<hbm>>
      %dma_wait3A_91 = arith.constant 0 : i32
      %dma_wait3A_92 = tpu.memref_slice %arg4[%arg0, %arg1, %dma_wait3A_91] : memref<2x16x100352xf32, #tpu.memory_space<hbm>> -> memref<1x1x100352xf32, #tpu.memory_space<hbm>>
      %dma_wait3A_93 = tpu.memref_squeeze %dma_wait3A_92 : memref<1x1x100352xf32, #tpu.memory_space<hbm>> -> memref<100352xf32, #tpu.memory_space<hbm>>
      tpu.wait_dma2 semaphore(%run_scoped3A_83 : memref<!tpu.dma_semaphore, #tpu.memory_space<semaphore_mem>>) src(%arg6 : memref<100352xf32, #tpu.memory_space<vmem>>) dst(%dma_wait3A_93 : memref<100352xf32, #tpu.memory_space<hbm>>)
      tpu.yield
    }) : () -> ()
    %barrier3A = arith.constant 0 : index
    tpu.barrier barrier_id(%barrier3A)
    %mul3A = arith.constant 6272 : i32
    %mul3A_14 = arith.muli %arg1, %mul3A : i32
    %run_scoped3A = arith.constant 0 : i32
    "tpu.region"() ({
      %run_scoped3A_83 = tpu.sem_alloc : memref<!tpu.dma_semaphore, #tpu.memory_space<semaphore_mem>>
      %dma_start3A = arith.constant 0 : i32
      %dma_start3A_84 = tpu.memref_slice %arg6[%dma_start3A] : memref<100352xf32, #tpu.memory_space<vmem>> -> memref<6272xf32, #tpu.memory_space<vmem>>
      %dma_start3A_85 = tpu.memref_slice %arg4[%arg0, %run_scoped3A, %mul3A_14] : memref<2x16x100352xf32, #tpu.memory_space<hbm>> -> memref<1x1x6272xf32, #tpu.memory_space<hbm>>
      %dma_start3A_86 = tpu.memref_squeeze %dma_start3A_85 : memref<1x1x6272xf32, #tpu.memory_space<hbm>> -> memref<6272xf32, #tpu.memory_space<hbm>>
      %dma_start3A_87 = arith.constant 0 : i32
      %dma_start3A_88 = tpu.memref_slice %arg6[%dma_start3A_87] : memref<100352xf32, #tpu.memory_space<vmem>> -> memref<6272xf32, #tpu.memory_space<vmem>>
      %dma_start3A_89 = tpu.memref_slice %arg4[%arg0, %run_scoped3A, %mul3A_14] : memref<2x16x100352xf32, #tpu.memory_space<hbm>> -> memref<1x1x6272xf32, #tpu.memory_space<hbm>>
      %dma_start3A_90 = tpu.memref_squeeze %dma_start3A_89 : memref<1x1x6272xf32, #tpu.memory_space<hbm>> -> memref<6272xf32, #tpu.memory_space<hbm>>
      tpu.enqueue_dma source(%dma_start3A_90 : memref<6272xf32, #tpu.memory_space<hbm>>) target(%dma_start3A_88 : memref<6272xf32, #tpu.memory_space<vmem>>) target_semaphore(%run_scoped3A_83 : memref<!tpu.dma_semaphore, #tpu.memory_space<semaphore_mem>>)
      %dma_wait3A = arith.constant 0 : i32
      %dma_wait3A_91 = tpu.memref_slice %arg6[%dma_wait3A] : memref<100352xf32, #tpu.memory_space<vmem>> -> memref<6272xf32, #tpu.memory_space<vmem>>
      %dma_wait3A_92 = tpu.memref_slice %arg4[%arg0, %run_scoped3A, %mul3A_14] : memref<2x16x100352xf32, #tpu.memory_space<hbm>> -> memref<1x1x6272xf32, #tpu.memory_space<hbm>>
      %dma_wait3A_93 = tpu.memref_squeeze %dma_wait3A_92 : memref<1x1x6272xf32, #tpu.memory_space<hbm>> -> memref<6272xf32, #tpu.memory_space<hbm>>
      %dma_wait3A_94 = arith.constant 0 : i32
      %dma_wait3A_95 = tpu.memref_slice %arg6[%dma_wait3A_94] : memref<100352xf32, #tpu.memory_space<vmem>> -> memref<6272xf32, #tpu.memory_space<vmem>>
      %dma_wait3A_96 = tpu.memref_slice %arg4[%arg0, %run_scoped3A, %mul3A_14] : memref<2x16x100352xf32, #tpu.memory_space<hbm>> -> memref<1x1x6272xf32, #tpu.memory_space<hbm>>
      %dma_wait3A_97 = tpu.memref_squeeze %dma_wait3A_96 : memref<1x1x6272xf32, #tpu.memory_space<hbm>> -> memref<6272xf32, #tpu.memory_space<hbm>>
      tpu.wait_dma2 semaphore(%run_scoped3A_83 : memref<!tpu.dma_semaphore, #tpu.memory_space<semaphore_mem>>) src(%dma_wait3A_97 : memref<6272xf32, #tpu.memory_space<hbm>>) dst(%dma_wait3A_95 : memref<6272xf32, #tpu.memory_space<vmem>>)
      tpu.yield
    }) : () -> ()
    %mul3A_15 = arith.constant 6272 : i32
    %mul3A_16 = arith.muli %arg1, %mul3A_15 : i32
    %run_scoped3A_17 = arith.constant 1 : i32
    "tpu.region"() ({
      %run_scoped3A_83 = tpu.sem_alloc : memref<!tpu.dma_semaphore, #tpu.memory_space<semaphore_mem>>
      %dma_start3A = arith.constant 6272 : i32
      %dma_start3A_84 = tpu.memref_slice %arg6[%dma_start3A] : memref<100352xf32, #tpu.memory_space<vmem>> -> memref<6272xf32, #tpu.memory_space<vmem>>
      %dma_start3A_85 = tpu.memref_slice %arg4[%arg0, %run_scoped3A_17, %mul3A_16] : memref<2x16x100352xf32, #tpu.memory_space<hbm>> -> memref<1x1x6272xf32, #tpu.memory_space<hbm>>
      %dma_start3A_86 = tpu.memref_squeeze %dma_start3A_85 : memref<1x1x6272xf32, #tpu.memory_space<hbm>> -> memref<6272xf32, #tpu.memory_space<hbm>>
      %dma_start3A_87 = arith.constant 6272 : i32
      %dma_start3A_88 = tpu.memref_slice %arg6[%dma_start3A_87] : memref<100352xf32, #tpu.memory_space<vmem>> -> memref<6272xf32, #tpu.memory_space<vmem>>
      %dma_start3A_89 = tpu.memref_slice %arg4[%arg0, %run_scoped3A_17, %mul3A_16] : memref<2x16x100352xf32, #tpu.memory_space<hbm>> -> memref<1x1x6272xf32, #tpu.memory_space<hbm>>
      %dma_start3A_90 = tpu.memref_squeeze %dma_start3A_89 : memref<1x1x6272xf32, #tpu.memory_space<hbm>> -> memref<6272xf32, #tpu.memory_space<hbm>>
      tpu.enqueue_dma source(%dma_start3A_90 : memref<6272xf32, #tpu.memory_space<hbm>>) target(%dma_start3A_88 : memref<6272xf32, #tpu.memory_space<vmem>>) target_semaphore(%run_scoped3A_83 : memref<!tpu.dma_semaphore, #tpu.memory_space<semaphore_mem>>)
      %dma_wait3A = arith.constant 6272 : i32
      %dma_wait3A_91 = tpu.memref_slice %arg6[%dma_wait3A] : memref<100352xf32, #tpu.memory_space<vmem>> -> memref<6272xf32, #tpu.memory_space<vmem>>
      %dma_wait3A_92 = tpu.memref_slice %arg4[%arg0, %run_scoped3A_17, %mul3A_16] : memref<2x16x100352xf32, #tpu.memory_space<hbm>> -> memref<1x1x6272xf32, #tpu.memory_space<hbm>>
      %dma_wait3A_93 = tpu.memref_squeeze %dma_wait3A_92 : memref<1x1x6272xf32, #tpu.memory_space<hbm>> -> memref<6272xf32, #tpu.memory_space<hbm>>
      %dma_wait3A_94 = arith.constant 6272 : i32
      %dma_wait3A_95 = tpu.memref_slice %arg6[%dma_wait3A_94] : memref<100352xf32, #tpu.memory_space<vmem>> -> memref<6272xf32, #tpu.memory_space<vmem>>
      %dma_wait3A_96 = tpu.memref_slice %arg4[%arg0, %run_scoped3A_17, %mul3A_16] : memref<2x16x100352xf32, #tpu.memory_space<hbm>> -> memref<1x1x6272xf32, #tpu.memory_space<hbm>>
      %dma_wait3A_97 = tpu.memref_squeeze %dma_wait3A_96 : memref<1x1x6272xf32, #tpu.memory_space<hbm>> -> memref<6272xf32, #tpu.memory_space<hbm>>
      tpu.wait_dma2 semaphore(%run_scoped3A_83 : memref<!tpu.dma_semaphore, #tpu.memory_space<semaphore_mem>>) src(%dma_wait3A_97 : memref<6272xf32, #tpu.memory_space<hbm>>) dst(%dma_wait3A_95 : memref<6272xf32, #tpu.memory_space<vmem>>)
      tpu.yield
    }) : () -> ()
    %mul3A_18 = arith.constant 6272 : i32
    %mul3A_19 = arith.muli %arg1, %mul3A_18 : i32
    %run_scoped3A_20 = arith.constant 2 : i32
    "tpu.region"() ({
      %run_scoped3A_83 = tpu.sem_alloc : memref<!tpu.dma_semaphore, #tpu.memory_space<semaphore_mem>>
      %dma_start3A = arith.constant 12544 : i32
      %dma_start3A_84 = tpu.memref_slice %arg6[%dma_start3A] : memref<100352xf32, #tpu.memory_space<vmem>> -> memref<6272xf32, #tpu.memory_space<vmem>>
      %dma_start3A_85 = tpu.memref_slice %arg4[%arg0, %run_scoped3A_20, %mul3A_19] : memref<2x16x100352xf32, #tpu.memory_space<hbm>> -> memref<1x1x6272xf32, #tpu.memory_space<hbm>>
      %dma_start3A_86 = tpu.memref_squeeze %dma_start3A_85 : memref<1x1x6272xf32, #tpu.memory_space<hbm>> -> memref<6272xf32, #tpu.memory_space<hbm>>
      %dma_start3A_87 = arith.constant 12544 : i32
      %dma_start3A_88 = tpu.memref_slice %arg6[%dma_start3A_87] : memref<100352xf32, #tpu.memory_space<vmem>> -> memref<6272xf32, #tpu.memory_space<vmem>>
      %dma_start3A_89 = tpu.memref_slice %arg4[%arg0, %run_scoped3A_20, %mul3A_19] : memref<2x16x100352xf32, #tpu.memory_space<hbm>> -> memref<1x1x6272xf32, #tpu.memory_space<hbm>>
      %dma_start3A_90 = tpu.memref_squeeze %dma_start3A_89 : memref<1x1x6272xf32, #tpu.memory_space<hbm>> -> memref<6272xf32, #tpu.memory_space<hbm>>
      tpu.enqueue_dma source(%dma_start3A_90 : memref<6272xf32, #tpu.memory_space<hbm>>) target(%dma_start3A_88 : memref<6272xf32, #tpu.memory_space<vmem>>) target_semaphore(%run_scoped3A_83 : memref<!tpu.dma_semaphore, #tpu.memory_space<semaphore_mem>>)
      %dma_wait3A = arith.constant 12544 : i32
      %dma_wait3A_91 = tpu.memref_slice %arg6[%dma_wait3A] : memref<100352xf32, #tpu.memory_space<vmem>> -> memref<6272xf32, #tpu.memory_space<vmem>>
      %dma_wait3A_92 = tpu.memref_slice %arg4[%arg0, %run_scoped3A_20, %mul3A_19] : memref<2x16x100352xf32, #tpu.memory_space<hbm>> -> memref<1x1x6272xf32, #tpu.memory_space<hbm>>
      %dma_wait3A_93 = tpu.memref_squeeze %dma_wait3A_92 : memref<1x1x6272xf32, #tpu.memory_space<hbm>> -> memref<6272xf32, #tpu.memory_space<hbm>>
      %dma_wait3A_94 = arith.constant 12544 : i32
      %dma_wait3A_95 = tpu.memref_slice %arg6[%dma_wait3A_94] : memref<100352xf32, #tpu.memory_space<vmem>> -> memref<6272xf32, #tpu.memory_space<vmem>>
      %dma_wait3A_96 = tpu.memref_slice %arg4[%arg0, %run_scoped3A_20, %mul3A_19] : memref<2x16x100352xf32, #tpu.memory_space<hbm>> -> memref<1x1x6272xf32, #tpu.memory_space<hbm>>
      %dma_wait3A_97 = tpu.memref_squeeze %dma_wait3A_96 : memref<1x1x6272xf32, #tpu.memory_space<hbm>> -> memref<6272xf32, #tpu.memory_space<hbm>>
      tpu.wait_dma2 semaphore(%run_scoped3A_83 : memref<!tpu.dma_semaphore, #tpu.memory_space<semaphore_mem>>) src(%dma_wait3A_97 : memref<6272xf32, #tpu.memory_space<hbm>>) dst(%dma_wait3A_95 : memref<6272xf32, #tpu.memory_space<vmem>>)
      tpu.yield
    }) : () -> ()
    %mul3A_21 = arith.constant 6272 : i32
    %mul3A_22 = arith.muli %arg1, %mul3A_21 : i32
    %run_scoped3A_23 = arith.constant 3 : i32
    "tpu.region"() ({
      %run_scoped3A_83 = tpu.sem_alloc : memref<!tpu.dma_semaphore, #tpu.memory_space<semaphore_mem>>
      %dma_start3A = arith.constant 18816 : i32
      %dma_start3A_84 = tpu.memref_slice %arg6[%dma_start3A] : memref<100352xf32, #tpu.memory_space<vmem>> -> memref<6272xf32, #tpu.memory_space<vmem>>
      %dma_start3A_85 = tpu.memref_slice %arg4[%arg0, %run_scoped3A_23, %mul3A_22] : memref<2x16x100352xf32, #tpu.memory_space<hbm>> -> memref<1x1x6272xf32, #tpu.memory_space<hbm>>
      %dma_start3A_86 = tpu.memref_squeeze %dma_start3A_85 : memref<1x1x6272xf32, #tpu.memory_space<hbm>> -> memref<6272xf32, #tpu.memory_space<hbm>>
      %dma_start3A_87 = arith.constant 18816 : i32
      %dma_start3A_88 = tpu.memref_slice %arg6[%dma_start3A_87] : memref<100352xf32, #tpu.memory_space<vmem>> -> memref<6272xf32, #tpu.memory_space<vmem>>
      %dma_start3A_89 = tpu.memref_slice %arg4[%arg0, %run_scoped3A_23, %mul3A_22] : memref<2x16x100352xf32, #tpu.memory_space<hbm>> -> memref<1x1x6272xf32, #tpu.memory_space<hbm>>
      %dma_start3A_90 = tpu.memref_squeeze %dma_start3A_89 : memref<1x1x6272xf32, #tpu.memory_space<hbm>> -> memref<6272xf32, #tpu.memory_space<hbm>>
      tpu.enqueue_dma source(%dma_start3A_90 : memref<6272xf32, #tpu.memory_space<hbm>>) target(%dma_start3A_88 : memref<6272xf32, #tpu.memory_space<vmem>>) target_semaphore(%run_scoped3A_83 : memref<!tpu.dma_semaphore, #tpu.memory_space<semaphore_mem>>)
      %dma_wait3A = arith.constant 18816 : i32
      %dma_wait3A_91 = tpu.memref_slice %arg6[%dma_wait3A] : memref<100352xf32, #tpu.memory_space<vmem>> -> memref<6272xf32, #tpu.memory_space<vmem>>
      %dma_wait3A_92 = tpu.memref_slice %arg4[%arg0, %run_scoped3A_23, %mul3A_22] : memref<2x16x100352xf32, #tpu.memory_space<hbm>> -> memref<1x1x6272xf32, #tpu.memory_space<hbm>>
      %dma_wait3A_93 = tpu.memref_squeeze %dma_wait3A_92 : memref<1x1x6272xf32, #tpu.memory_space<hbm>> -> memref<6272xf32, #tpu.memory_space<hbm>>
      %dma_wait3A_94 = arith.constant 18816 : i32
      %dma_wait3A_95 = tpu.memref_slice %arg6[%dma_wait3A_94] : memref<100352xf32, #tpu.memory_space<vmem>> -> memref<6272xf32, #tpu.memory_space<vmem>>
      %dma_wait3A_96 = tpu.memref_slice %arg4[%arg0, %run_scoped3A_23, %mul3A_22] : memref<2x16x100352xf32, #tpu.memory_space<hbm>> -> memref<1x1x6272xf32, #tpu.memory_space<hbm>>
      %dma_wait3A_97 = tpu.memref_squeeze %dma_wait3A_96 : memref<1x1x6272xf32, #tpu.memory_space<hbm>> -> memref<6272xf32, #tpu.memory_space<hbm>>
      tpu.wait_dma2 semaphore(%run_scoped3A_83 : memref<!tpu.dma_semaphore, #tpu.memory_space<semaphore_mem>>) src(%dma_wait3A_97 : memref<6272xf32, #tpu.memory_space<hbm>>) dst(%dma_wait3A_95 : memref<6272xf32, #tpu.memory_space<vmem>>)
      tpu.yield
    }) : () -> ()
    %mul3A_24 = arith.constant 6272 : i32
    %mul3A_25 = arith.muli %arg1, %mul3A_24 : i32
    %run_scoped3A_26 = arith.constant 4 : i32
    "tpu.region"() ({
      %run_scoped3A_83 = tpu.sem_alloc : memref<!tpu.dma_semaphore, #tpu.memory_space<semaphore_mem>>
      %dma_start3A = arith.constant 25088 : i32
      %dma_start3A_84 = tpu.memref_slice %arg6[%dma_start3A] : memref<100352xf32, #tpu.memory_space<vmem>> -> memref<6272xf32, #tpu.memory_space<vmem>>
      %dma_start3A_85 = tpu.memref_slice %arg4[%arg0, %run_scoped3A_26, %mul3A_25] : memref<2x16x100352xf32, #tpu.memory_space<hbm>> -> memref<1x1x6272xf32, #tpu.memory_space<hbm>>
      %dma_start3A_86 = tpu.memref_squeeze %dma_start3A_85 : memref<1x1x6272xf32, #tpu.memory_space<hbm>> -> memref<6272xf32, #tpu.memory_space<hbm>>
      %dma_start3A_87 = arith.constant 25088 : i32
      %dma_start3A_88 = tpu.memref_slice %arg6[%dma_start3A_87] : memref<100352xf32, #tpu.memory_space<vmem>> -> memref<6272xf32, #tpu.memory_space<vmem>>
      %dma_start3A_89 = tpu.memref_slice %arg4[%arg0, %run_scoped3A_26, %mul3A_25] : memref<2x16x100352xf32, #tpu.memory_space<hbm>> -> memref<1x1x6272xf32, #tpu.memory_space<hbm>>
      %dma_start3A_90 = tpu.memref_squeeze %dma_start3A_89 : memref<1x1x6272xf32, #tpu.memory_space<hbm>> -> memref<6272xf32, #tpu.memory_space<hbm>>
      tpu.enqueue_dma source(%dma_start3A_90 : memref<6272xf32, #tpu.memory_space<hbm>>) target(%dma_start3A_88 : memref<6272xf32, #tpu.memory_space<vmem>>) target_semaphore(%run_scoped3A_83 : memref<!tpu.dma_semaphore, #tpu.memory_space<semaphore_mem>>)
      %dma_wait3A = arith.constant 25088 : i32
      %dma_wait3A_91 = tpu.memref_slice %arg6[%dma_wait3A] : memref<100352xf32, #tpu.memory_space<vmem>> -> memref<6272xf32, #tpu.memory_space<vmem>>
      %dma_wait3A_92 = tpu.memref_slice %arg4[%arg0, %run_scoped3A_26, %mul3A_25] : memref<2x16x100352xf32, #tpu.memory_space<hbm>> -> memref<1x1x6272xf32, #tpu.memory_space<hbm>>
      %dma_wait3A_93 = tpu.memref_squeeze %dma_wait3A_92 : memref<1x1x6272xf32, #tpu.memory_space<hbm>> -> memref<6272xf32, #tpu.memory_space<hbm>>
      %dma_wait3A_94 = arith.constant 25088 : i32
      %dma_wait3A_95 = tpu.memref_slice %arg6[%dma_wait3A_94] : memref<100352xf32, #tpu.memory_space<vmem>> -> memref<6272xf32, #tpu.memory_space<vmem>>
      %dma_wait3A_96 = tpu.memref_slice %arg4[%arg0, %run_scoped3A_26, %mul3A_25] : memref<2x16x100352xf32, #tpu.memory_space<hbm>> -> memref<1x1x6272xf32, #tpu.memory_space<hbm>>
      %dma_wait3A_97 = tpu.memref_squeeze %dma_wait3A_96 : memref<1x1x6272xf32, #tpu.memory_space<hbm>> -> memref<6272xf32, #tpu.memory_space<hbm>>
      tpu.wait_dma2 semaphore(%run_scoped3A_83 : memref<!tpu.dma_semaphore, #tpu.memory_space<semaphore_mem>>) src(%dma_wait3A_97 : memref<6272xf32, #tpu.memory_space<hbm>>) dst(%dma_wait3A_95 : memref<6272xf32, #tpu.memory_space<vmem>>)
      tpu.yield
    }) : () -> ()
    %mul3A_27 = arith.constant 6272 : i32
    %mul3A_28 = arith.muli %arg1, %mul3A_27 : i32
    %run_scoped3A_29 = arith.constant 5 : i32
    "tpu.region"() ({
      %run_scoped3A_83 = tpu.sem_alloc : memref<!tpu.dma_semaphore, #tpu.memory_space<semaphore_mem>>
      %dma_start3A = arith.constant 31360 : i32
      %dma_start3A_84 = tpu.memref_slice %arg6[%dma_start3A] : memref<100352xf32, #tpu.memory_space<vmem>> -> memref<6272xf32, #tpu.memory_space<vmem>>
      %dma_start3A_85 = tpu.memref_slice %arg4[%arg0, %run_scoped3A_29, %mul3A_28] : memref<2x16x100352xf32, #tpu.memory_space<hbm>> -> memref<1x1x6272xf32, #tpu.memory_space<hbm>>
      %dma_start3A_86 = tpu.memref_squeeze %dma_start3A_85 : memref<1x1x6272xf32, #tpu.memory_space<hbm>> -> memref<6272xf32, #tpu.memory_space<hbm>>
      %dma_start3A_87 = arith.constant 31360 : i32
      %dma_start3A_88 = tpu.memref_slice %arg6[%dma_start3A_87] : memref<100352xf32, #tpu.memory_space<vmem>> -> memref<6272xf32, #tpu.memory_space<vmem>>
      %dma_start3A_89 = tpu.memref_slice %arg4[%arg0, %run_scoped3A_29, %mul3A_28] : memref<2x16x100352xf32, #tpu.memory_space<hbm>> -> memref<1x1x6272xf32, #tpu.memory_space<hbm>>
      %dma_start3A_90 = tpu.memref_squeeze %dma_start3A_89 : memref<1x1x6272xf32, #tpu.memory_space<hbm>> -> memref<6272xf32, #tpu.memory_space<hbm>>
      tpu.enqueue_dma source(%dma_start3A_90 : memref<6272xf32, #tpu.memory_space<hbm>>) target(%dma_start3A_88 : memref<6272xf32, #tpu.memory_space<vmem>>) target_semaphore(%run_scoped3A_83 : memref<!tpu.dma_semaphore, #tpu.memory_space<semaphore_mem>>)
      %dma_wait3A = arith.constant 31360 : i32
      %dma_wait3A_91 = tpu.memref_slice %arg6[%dma_wait3A] : memref<100352xf32, #tpu.memory_space<vmem>> -> memref<6272xf32, #tpu.memory_space<vmem>>
      %dma_wait3A_92 = tpu.memref_slice %arg4[%arg0, %run_scoped3A_29, %mul3A_28] : memref<2x16x100352xf32, #tpu.memory_space<hbm>> -> memref<1x1x6272xf32, #tpu.memory_space<hbm>>
      %dma_wait3A_93 = tpu.memref_squeeze %dma_wait3A_92 : memref<1x1x6272xf32, #tpu.memory_space<hbm>> -> memref<6272xf32, #tpu.memory_space<hbm>>
      %dma_wait3A_94 = arith.constant 31360 : i32
      %dma_wait3A_95 = tpu.memref_slice %arg6[%dma_wait3A_94] : memref<100352xf32, #tpu.memory_space<vmem>> -> memref<6272xf32, #tpu.memory_space<vmem>>
      %dma_wait3A_96 = tpu.memref_slice %arg4[%arg0, %run_scoped3A_29, %mul3A_28] : memref<2x16x100352xf32, #tpu.memory_space<hbm>> -> memref<1x1x6272xf32, #tpu.memory_space<hbm>>
      %dma_wait3A_97 = tpu.memref_squeeze %dma_wait3A_96 : memref<1x1x6272xf32, #tpu.memory_space<hbm>> -> memref<6272xf32, #tpu.memory_space<hbm>>
      tpu.wait_dma2 semaphore(%run_scoped3A_83 : memref<!tpu.dma_semaphore, #tpu.memory_space<semaphore_mem>>) src(%dma_wait3A_97 : memref<6272xf32, #tpu.memory_space<hbm>>) dst(%dma_wait3A_95 : memref<6272xf32, #tpu.memory_space<vmem>>)
      tpu.yield
    }) : () -> ()
    %mul3A_30 = arith.constant 6272 : i32
    %mul3A_31 = arith.muli %arg1, %mul3A_30 : i32
    %run_scoped3A_32 = arith.constant 6 : i32
    "tpu.region"() ({
      %run_scoped3A_83 = tpu.sem_alloc : memref<!tpu.dma_semaphore, #tpu.memory_space<semaphore_mem>>
      %dma_start3A = arith.constant 37632 : i32
      %dma_start3A_84 = tpu.memref_slice %arg6[%dma_start3A] : memref<100352xf32, #tpu.memory_space<vmem>> -> memref<6272xf32, #tpu.memory_space<vmem>>
      %dma_start3A_85 = tpu.memref_slice %arg4[%arg0, %run_scoped3A_32, %mul3A_31] : memref<2x16x100352xf32, #tpu.memory_space<hbm>> -> memref<1x1x6272xf32, #tpu.memory_space<hbm>>
      %dma_start3A_86 = tpu.memref_squeeze %dma_start3A_85 : memref<1x1x6272xf32, #tpu.memory_space<hbm>> -> memref<6272xf32, #tpu.memory_space<hbm>>
      %dma_start3A_87 = arith.constant 37632 : i32
      %dma_start3A_88 = tpu.memref_slice %arg6[%dma_start3A_87] : memref<100352xf32, #tpu.memory_space<vmem>> -> memref<6272xf32, #tpu.memory_space<vmem>>
      %dma_start3A_89 = tpu.memref_slice %arg4[%arg0, %run_scoped3A_32, %mul3A_31] : memref<2x16x100352xf32, #tpu.memory_space<hbm>> -> memref<1x1x6272xf32, #tpu.memory_space<hbm>>
      %dma_start3A_90 = tpu.memref_squeeze %dma_start3A_89 : memref<1x1x6272xf32, #tpu.memory_space<hbm>> -> memref<6272xf32, #tpu.memory_space<hbm>>
      tpu.enqueue_dma source(%dma_start3A_90 : memref<6272xf32, #tpu.memory_space<hbm>>) target(%dma_start3A_88 : memref<6272xf32, #tpu.memory_space<vmem>>) target_semaphore(%run_scoped3A_83 : memref<!tpu.dma_semaphore, #tpu.memory_space<semaphore_mem>>)
      %dma_wait3A = arith.constant 37632 : i32
      %dma_wait3A_91 = tpu.memref_slice %arg6[%dma_wait3A] : memref<100352xf32, #tpu.memory_space<vmem>> -> memref<6272xf32, #tpu.memory_space<vmem>>
      %dma_wait3A_92 = tpu.memref_slice %arg4[%arg0, %run_scoped3A_32, %mul3A_31] : memref<2x16x100352xf32, #tpu.memory_space<hbm>> -> memref<1x1x6272xf32, #tpu.memory_space<hbm>>
      %dma_wait3A_93 = tpu.memref_squeeze %dma_wait3A_92 : memref<1x1x6272xf32, #tpu.memory_space<hbm>> -> memref<6272xf32, #tpu.memory_space<hbm>>
      %dma_wait3A_94 = arith.constant 37632 : i32
      %dma_wait3A_95 = tpu.memref_slice %arg6[%dma_wait3A_94] : memref<100352xf32, #tpu.memory_space<vmem>> -> memref<6272xf32, #tpu.memory_space<vmem>>
      %dma_wait3A_96 = tpu.memref_slice %arg4[%arg0, %run_scoped3A_32, %mul3A_31] : memref<2x16x100352xf32, #tpu.memory_space<hbm>> -> memref<1x1x6272xf32, #tpu.memory_space<hbm>>
      %dma_wait3A_97 = tpu.memref_squeeze %dma_wait3A_96 : memref<1x1x6272xf32, #tpu.memory_space<hbm>> -> memref<6272xf32, #tpu.memory_space<hbm>>
      tpu.wait_dma2 semaphore(%run_scoped3A_83 : memref<!tpu.dma_semaphore, #tpu.memory_space<semaphore_mem>>) src(%dma_wait3A_97 : memref<6272xf32, #tpu.memory_space<hbm>>) dst(%dma_wait3A_95 : memref<6272xf32, #tpu.memory_space<vmem>>)
      tpu.yield
    }) : () -> ()
    %mul3A_33 = arith.constant 6272 : i32
    %mul3A_34 = arith.muli %arg1, %mul3A_33 : i32
    %run_scoped3A_35 = arith.constant 7 : i32
    "tpu.region"() ({
      %run_scoped3A_83 = tpu.sem_alloc : memref<!tpu.dma_semaphore, #tpu.memory_space<semaphore_mem>>
      %dma_start3A = arith.constant 43904 : i32
      %dma_start3A_84 = tpu.memref_slice %arg6[%dma_start3A] : memref<100352xf32, #tpu.memory_space<vmem>> -> memref<6272xf32, #tpu.memory_space<vmem>>
      %dma_start3A_85 = tpu.memref_slice %arg4[%arg0, %run_scoped3A_35, %mul3A_34] : memref<2x16x100352xf32, #tpu.memory_space<hbm>> -> memref<1x1x6272xf32, #tpu.memory_space<hbm>>
      %dma_start3A_86 = tpu.memref_squeeze %dma_start3A_85 : memref<1x1x6272xf32, #tpu.memory_space<hbm>> -> memref<6272xf32, #tpu.memory_space<hbm>>
      %dma_start3A_87 = arith.constant 43904 : i32
      %dma_start3A_88 = tpu.memref_slice %arg6[%dma_start3A_87] : memref<100352xf32, #tpu.memory_space<vmem>> -> memref<6272xf32, #tpu.memory_space<vmem>>
      %dma_start3A_89 = tpu.memref_slice %arg4[%arg0, %run_scoped3A_35, %mul3A_34] : memref<2x16x100352xf32, #tpu.memory_space<hbm>> -> memref<1x1x6272xf32, #tpu.memory_space<hbm>>
      %dma_start3A_90 = tpu.memref_squeeze %dma_start3A_89 : memref<1x1x6272xf32, #tpu.memory_space<hbm>> -> memref<6272xf32, #tpu.memory_space<hbm>>
      tpu.enqueue_dma source(%dma_start3A_90 : memref<6272xf32, #tpu.memory_space<hbm>>) target(%dma_start3A_88 : memref<6272xf32, #tpu.memory_space<vmem>>) target_semaphore(%run_scoped3A_83 : memref<!tpu.dma_semaphore, #tpu.memory_space<semaphore_mem>>)
      %dma_wait3A = arith.constant 43904 : i32
      %dma_wait3A_91 = tpu.memref_slice %arg6[%dma_wait3A] : memref<100352xf32, #tpu.memory_space<vmem>> -> memref<6272xf32, #tpu.memory_space<vmem>>
      %dma_wait3A_92 = tpu.memref_slice %arg4[%arg0, %run_scoped3A_35, %mul3A_34] : memref<2x16x100352xf32, #tpu.memory_space<hbm>> -> memref<1x1x6272xf32, #tpu.memory_space<hbm>>
      %dma_wait3A_93 = tpu.memref_squeeze %dma_wait3A_92 : memref<1x1x6272xf32, #tpu.memory_space<hbm>> -> memref<6272xf32, #tpu.memory_space<hbm>>
      %dma_wait3A_94 = arith.constant 43904 : i32
      %dma_wait3A_95 = tpu.memref_slice %arg6[%dma_wait3A_94] : memref<100352xf32, #tpu.memory_space<vmem>> -> memref<6272xf32, #tpu.memory_space<vmem>>
      %dma_wait3A_96 = tpu.memref_slice %arg4[%arg0, %run_scoped3A_35, %mul3A_34] : memref<2x16x100352xf32, #tpu.memory_space<hbm>> -> memref<1x1x6272xf32, #tpu.memory_space<hbm>>
      %dma_wait3A_97 = tpu.memref_squeeze %dma_wait3A_96 : memref<1x1x6272xf32, #tpu.memory_space<hbm>> -> memref<6272xf32, #tpu.memory_space<hbm>>
      tpu.wait_dma2 semaphore(%run_scoped3A_83 : memref<!tpu.dma_semaphore, #tpu.memory_space<semaphore_mem>>) src(%dma_wait3A_97 : memref<6272xf32, #tpu.memory_space<hbm>>) dst(%dma_wait3A_95 : memref<6272xf32, #tpu.memory_space<vmem>>)
      tpu.yield
    }) : () -> ()
    %mul3A_36 = arith.constant 6272 : i32
    %mul3A_37 = arith.muli %arg1, %mul3A_36 : i32
    %run_scoped3A_38 = arith.constant 8 : i32
    "tpu.region"() ({
      %run_scoped3A_83 = tpu.sem_alloc : memref<!tpu.dma_semaphore, #tpu.memory_space<semaphore_mem>>
      %dma_start3A = arith.constant 50176 : i32
      %dma_start3A_84 = tpu.memref_slice %arg6[%dma_start3A] : memref<100352xf32, #tpu.memory_space<vmem>> -> memref<6272xf32, #tpu.memory_space<vmem>>
      %dma_start3A_85 = tpu.memref_slice %arg4[%arg0, %run_scoped3A_38, %mul3A_37] : memref<2x16x100352xf32, #tpu.memory_space<hbm>> -> memref<1x1x6272xf32, #tpu.memory_space<hbm>>
      %dma_start3A_86 = tpu.memref_squeeze %dma_start3A_85 : memref<1x1x6272xf32, #tpu.memory_space<hbm>> -> memref<6272xf32, #tpu.memory_space<hbm>>
      %dma_start3A_87 = arith.constant 50176 : i32
      %dma_start3A_88 = tpu.memref_slice %arg6[%dma_start3A_87] : memref<100352xf32, #tpu.memory_space<vmem>> -> memref<6272xf32, #tpu.memory_space<vmem>>
      %dma_start3A_89 = tpu.memref_slice %arg4[%arg0, %run_scoped3A_38, %mul3A_37] : memref<2x16x100352xf32, #tpu.memory_space<hbm>> -> memref<1x1x6272xf32, #tpu.memory_space<hbm>>
      %dma_start3A_90 = tpu.memref_squeeze %dma_start3A_89 : memref<1x1x6272xf32, #tpu.memory_space<hbm>> -> memref<6272xf32, #tpu.memory_space<hbm>>
      tpu.enqueue_dma source(%dma_start3A_90 : memref<6272xf32, #tpu.memory_space<hbm>>) target(%dma_start3A_88 : memref<6272xf32, #tpu.memory_space<vmem>>) target_semaphore(%run_scoped3A_83 : memref<!tpu.dma_semaphore, #tpu.memory_space<semaphore_mem>>)
      %dma_wait3A = arith.constant 50176 : i32
      %dma_wait3A_91 = tpu.memref_slice %arg6[%dma_wait3A] : memref<100352xf32, #tpu.memory_space<vmem>> -> memref<6272xf32, #tpu.memory_space<vmem>>
      %dma_wait3A_92 = tpu.memref_slice %arg4[%arg0, %run_scoped3A_38, %mul3A_37] : memref<2x16x100352xf32, #tpu.memory_space<hbm>> -> memref<1x1x6272xf32, #tpu.memory_space<hbm>>
      %dma_wait3A_93 = tpu.memref_squeeze %dma_wait3A_92 : memref<1x1x6272xf32, #tpu.memory_space<hbm>> -> memref<6272xf32, #tpu.memory_space<hbm>>
      %dma_wait3A_94 = arith.constant 50176 : i32
      %dma_wait3A_95 = tpu.memref_slice %arg6[%dma_wait3A_94] : memref<100352xf32, #tpu.memory_space<vmem>> -> memref<6272xf32, #tpu.memory_space<vmem>>
      %dma_wait3A_96 = tpu.memref_slice %arg4[%arg0, %run_scoped3A_38, %mul3A_37] : memref<2x16x100352xf32, #tpu.memory_space<hbm>> -> memref<1x1x6272xf32, #tpu.memory_space<hbm>>
      %dma_wait3A_97 = tpu.memref_squeeze %dma_wait3A_96 : memref<1x1x6272xf32, #tpu.memory_space<hbm>> -> memref<6272xf32, #tpu.memory_space<hbm>>
      tpu.wait_dma2 semaphore(%run_scoped3A_83 : memref<!tpu.dma_semaphore, #tpu.memory_space<semaphore_mem>>) src(%dma_wait3A_97 : memref<6272xf32, #tpu.memory_space<hbm>>) dst(%dma_wait3A_95 : memref<6272xf32, #tpu.memory_space<vmem>>)
      tpu.yield
    }) : () -> ()
    %mul3A_39 = arith.constant 6272 : i32
    %mul3A_40 = arith.muli %arg1, %mul3A_39 : i32
    %run_scoped3A_41 = arith.constant 9 : i32
    "tpu.region"() ({
      %run_scoped3A_83 = tpu.sem_alloc : memref<!tpu.dma_semaphore, #tpu.memory_space<semaphore_mem>>
      %dma_start3A = arith.constant 56448 : i32
      %dma_start3A_84 = tpu.memref_slice %arg6[%dma_start3A] : memref<100352xf32, #tpu.memory_space<vmem>> -> memref<6272xf32, #tpu.memory_space<vmem>>
      %dma_start3A_85 = tpu.memref_slice %arg4[%arg0, %run_scoped3A_41, %mul3A_40] : memref<2x16x100352xf32, #tpu.memory_space<hbm>> -> memref<1x1x6272xf32, #tpu.memory_space<hbm>>
      %dma_start3A_86 = tpu.memref_squeeze %dma_start3A_85 : memref<1x1x6272xf32, #tpu.memory_space<hbm>> -> memref<6272xf32, #tpu.memory_space<hbm>>
      %dma_start3A_87 = arith.constant 56448 : i32
      %dma_start3A_88 = tpu.memref_slice %arg6[%dma_start3A_87] : memref<100352xf32, #tpu.memory_space<vmem>> -> memref<6272xf32, #tpu.memory_space<vmem>>
      %dma_start3A_89 = tpu.memref_slice %arg4[%arg0, %run_scoped3A_41, %mul3A_40] : memref<2x16x100352xf32, #tpu.memory_space<hbm>> -> memref<1x1x6272xf32, #tpu.memory_space<hbm>>
      %dma_start3A_90 = tpu.memref_squeeze %dma_start3A_89 : memref<1x1x6272xf32, #tpu.memory_space<hbm>> -> memref<6272xf32, #tpu.memory_space<hbm>>
      tpu.enqueue_dma source(%dma_start3A_90 : memref<6272xf32, #tpu.memory_space<hbm>>) target(%dma_start3A_88 : memref<6272xf32, #tpu.memory_space<vmem>>) target_semaphore(%run_scoped3A_83 : memref<!tpu.dma_semaphore, #tpu.memory_space<semaphore_mem>>)
      %dma_wait3A = arith.constant 56448 : i32
      %dma_wait3A_91 = tpu.memref_slice %arg6[%dma_wait3A] : memref<100352xf32, #tpu.memory_space<vmem>> -> memref<6272xf32, #tpu.memory_space<vmem>>
      %dma_wait3A_92 = tpu.memref_slice %arg4[%arg0, %run_scoped3A_41, %mul3A_40] : memref<2x16x100352xf32, #tpu.memory_space<hbm>> -> memref<1x1x6272xf32, #tpu.memory_space<hbm>>
      %dma_wait3A_93 = tpu.memref_squeeze %dma_wait3A_92 : memref<1x1x6272xf32, #tpu.memory_space<hbm>> -> memref<6272xf32, #tpu.memory_space<hbm>>
      %dma_wait3A_94 = arith.constant 56448 : i32
      %dma_wait3A_95 = tpu.memref_slice %arg6[%dma_wait3A_94] : memref<100352xf32, #tpu.memory_space<vmem>> -> memref<6272xf32, #tpu.memory_space<vmem>>
      %dma_wait3A_96 = tpu.memref_slice %arg4[%arg0, %run_scoped3A_41, %mul3A_40] : memref<2x16x100352xf32, #tpu.memory_space<hbm>> -> memref<1x1x6272xf32, #tpu.memory_space<hbm>>
      %dma_wait3A_97 = tpu.memref_squeeze %dma_wait3A_96 : memref<1x1x6272xf32, #tpu.memory_space<hbm>> -> memref<6272xf32, #tpu.memory_space<hbm>>
      tpu.wait_dma2 semaphore(%run_scoped3A_83 : memref<!tpu.dma_semaphore, #tpu.memory_space<semaphore_mem>>) src(%dma_wait3A_97 : memref<6272xf32, #tpu.memory_space<hbm>>) dst(%dma_wait3A_95 : memref<6272xf32, #tpu.memory_space<vmem>>)
      tpu.yield
    }) : () -> ()
    %mul3A_42 = arith.constant 6272 : i32
    %mul3A_43 = arith.muli %arg1, %mul3A_42 : i32
    %run_scoped3A_44 = arith.constant 10 : i32
    "tpu.region"() ({
      %run_scoped3A_83 = tpu.sem_alloc : memref<!tpu.dma_semaphore, #tpu.memory_space<semaphore_mem>>
      %dma_start3A = arith.constant 62720 : i32
      %dma_start3A_84 = tpu.memref_slice %arg6[%dma_start3A] : memref<100352xf32, #tpu.memory_space<vmem>> -> memref<6272xf32, #tpu.memory_space<vmem>>
      %dma_start3A_85 = tpu.memref_slice %arg4[%arg0, %run_scoped3A_44, %mul3A_43] : memref<2x16x100352xf32, #tpu.memory_space<hbm>> -> memref<1x1x6272xf32, #tpu.memory_space<hbm>>
      %dma_start3A_86 = tpu.memref_squeeze %dma_start3A_85 : memref<1x1x6272xf32, #tpu.memory_space<hbm>> -> memref<6272xf32, #tpu.memory_space<hbm>>
      %dma_start3A_87 = arith.constant 62720 : i32
      %dma_start3A_88 = tpu.memref_slice %arg6[%dma_start3A_87] : memref<100352xf32, #tpu.memory_space<vmem>> -> memref<6272xf32, #tpu.memory_space<vmem>>
      %dma_start3A_89 = tpu.memref_slice %arg4[%arg0, %run_scoped3A_44, %mul3A_43] : memref<2x16x100352xf32, #tpu.memory_space<hbm>> -> memref<1x1x6272xf32, #tpu.memory_space<hbm>>
      %dma_start3A_90 = tpu.memref_squeeze %dma_start3A_89 : memref<1x1x6272xf32, #tpu.memory_space<hbm>> -> memref<6272xf32, #tpu.memory_space<hbm>>
      tpu.enqueue_dma source(%dma_start3A_90 : memref<6272xf32, #tpu.memory_space<hbm>>) target(%dma_start3A_88 : memref<6272xf32, #tpu.memory_space<vmem>>) target_semaphore(%run_scoped3A_83 : memref<!tpu.dma_semaphore, #tpu.memory_space<semaphore_mem>>)
      %dma_wait3A = arith.constant 62720 : i32
      %dma_wait3A_91 = tpu.memref_slice %arg6[%dma_wait3A] : memref<100352xf32, #tpu.memory_space<vmem>> -> memref<6272xf32, #tpu.memory_space<vmem>>
      %dma_wait3A_92 = tpu.memref_slice %arg4[%arg0, %run_scoped3A_44, %mul3A_43] : memref<2x16x100352xf32, #tpu.memory_space<hbm>> -> memref<1x1x6272xf32, #tpu.memory_space<hbm>>
      %dma_wait3A_93 = tpu.memref_squeeze %dma_wait3A_92 : memref<1x1x6272xf32, #tpu.memory_space<hbm>> -> memref<6272xf32, #tpu.memory_space<hbm>>
      %dma_wait3A_94 = arith.constant 62720 : i32
      %dma_wait3A_95 = tpu.memref_slice %arg6[%dma_wait3A_94] : memref<100352xf32, #tpu.memory_space<vmem>> -> memref<6272xf32, #tpu.memory_space<vmem>>
      %dma_wait3A_96 = tpu.memref_slice %arg4[%arg0, %run_scoped3A_44, %mul3A_43] : memref<2x16x100352xf32, #tpu.memory_space<hbm>> -> memref<1x1x6272xf32, #tpu.memory_space<hbm>>
      %dma_wait3A_97 = tpu.memref_squeeze %dma_wait3A_96 : memref<1x1x6272xf32, #tpu.memory_space<hbm>> -> memref<6272xf32, #tpu.memory_space<hbm>>
      tpu.wait_dma2 semaphore(%run_scoped3A_83 : memref<!tpu.dma_semaphore, #tpu.memory_space<semaphore_mem>>) src(%dma_wait3A_97 : memref<6272xf32, #tpu.memory_space<hbm>>) dst(%dma_wait3A_95 : memref<6272xf32, #tpu.memory_space<vmem>>)
      tpu.yield
    }) : () -> ()
    %mul3A_45 = arith.constant 6272 : i32
    %mul3A_46 = arith.muli %arg1, %mul3A_45 : i32
    %run_scoped3A_47 = arith.constant 11 : i32
    "tpu.region"() ({
      %run_scoped3A_83 = tpu.sem_alloc : memref<!tpu.dma_semaphore, #tpu.memory_space<semaphore_mem>>
      %dma_start3A = arith.constant 68992 : i32
      %dma_start3A_84 = tpu.memref_slice %arg6[%dma_start3A] : memref<100352xf32, #tpu.memory_space<vmem>> -> memref<6272xf32, #tpu.memory_space<vmem>>
      %dma_start3A_85 = tpu.memref_slice %arg4[%arg0, %run_scoped3A_47, %mul3A_46] : memref<2x16x100352xf32, #tpu.memory_space<hbm>> -> memref<1x1x6272xf32, #tpu.memory_space<hbm>>
      %dma_start3A_86 = tpu.memref_squeeze %dma_start3A_85 : memref<1x1x6272xf32, #tpu.memory_space<hbm>> -> memref<6272xf32, #tpu.memory_space<hbm>>
      %dma_start3A_87 = arith.constant 68992 : i32
      %dma_start3A_88 = tpu.memref_slice %arg6[%dma_start3A_87] : memref<100352xf32, #tpu.memory_space<vmem>> -> memref<6272xf32, #tpu.memory_space<vmem>>
      %dma_start3A_89 = tpu.memref_slice %arg4[%arg0, %run_scoped3A_47, %mul3A_46] : memref<2x16x100352xf32, #tpu.memory_space<hbm>> -> memref<1x1x6272xf32, #tpu.memory_space<hbm>>
      %dma_start3A_90 = tpu.memref_squeeze %dma_start3A_89 : memref<1x1x6272xf32, #tpu.memory_space<hbm>> -> memref<6272xf32, #tpu.memory_space<hbm>>
      tpu.enqueue_dma source(%dma_start3A_90 : memref<6272xf32, #tpu.memory_space<hbm>>) target(%dma_start3A_88 : memref<6272xf32, #tpu.memory_space<vmem>>) target_semaphore(%run_scoped3A_83 : memref<!tpu.dma_semaphore, #tpu.memory_space<semaphore_mem>>)
      %dma_wait3A = arith.constant 68992 : i32
      %dma_wait3A_91 = tpu.memref_slice %arg6[%dma_wait3A] : memref<100352xf32, #tpu.memory_space<vmem>> -> memref<6272xf32, #tpu.memory_space<vmem>>
      %dma_wait3A_92 = tpu.memref_slice %arg4[%arg0, %run_scoped3A_47, %mul3A_46] : memref<2x16x100352xf32, #tpu.memory_space<hbm>> -> memref<1x1x6272xf32, #tpu.memory_space<hbm>>
      %dma_wait3A_93 = tpu.memref_squeeze %dma_wait3A_92 : memref<1x1x6272xf32, #tpu.memory_space<hbm>> -> memref<6272xf32, #tpu.memory_space<hbm>>
      %dma_wait3A_94 = arith.constant 68992 : i32
      %dma_wait3A_95 = tpu.memref_slice %arg6[%dma_wait3A_94] : memref<100352xf32, #tpu.memory_space<vmem>> -> memref<6272xf32, #tpu.memory_space<vmem>>
      %dma_wait3A_96 = tpu.memref_slice %arg4[%arg0, %run_scoped3A_47, %mul3A_46] : memref<2x16x100352xf32, #tpu.memory_space<hbm>> -> memref<1x1x6272xf32, #tpu.memory_space<hbm>>
      %dma_wait3A_97 = tpu.memref_squeeze %dma_wait3A_96 : memref<1x1x6272xf32, #tpu.memory_space<hbm>> -> memref<6272xf32, #tpu.memory_space<hbm>>
      tpu.wait_dma2 semaphore(%run_scoped3A_83 : memref<!tpu.dma_semaphore, #tpu.memory_space<semaphore_mem>>) src(%dma_wait3A_97 : memref<6272xf32, #tpu.memory_space<hbm>>) dst(%dma_wait3A_95 : memref<6272xf32, #tpu.memory_space<vmem>>)
      tpu.yield
    }) : () -> ()
    %mul3A_48 = arith.constant 6272 : i32
    %mul3A_49 = arith.muli %arg1, %mul3A_48 : i32
    %run_scoped3A_50 = arith.constant 12 : i32
    "tpu.region"() ({
      %run_scoped3A_83 = tpu.sem_alloc : memref<!tpu.dma_semaphore, #tpu.memory_space<semaphore_mem>>
      %dma_start3A = arith.constant 75264 : i32
      %dma_start3A_84 = tpu.memref_slice %arg6[%dma_start3A] : memref<100352xf32, #tpu.memory_space<vmem>> -> memref<6272xf32, #tpu.memory_space<vmem>>
      %dma_start3A_85 = tpu.memref_slice %arg4[%arg0, %run_scoped3A_50, %mul3A_49] : memref<2x16x100352xf32, #tpu.memory_space<hbm>> -> memref<1x1x6272xf32, #tpu.memory_space<hbm>>
      %dma_start3A_86 = tpu.memref_squeeze %dma_start3A_85 : memref<1x1x6272xf32, #tpu.memory_space<hbm>> -> memref<6272xf32, #tpu.memory_space<hbm>>
      %dma_start3A_87 = arith.constant 75264 : i32
      %dma_start3A_88 = tpu.memref_slice %arg6[%dma_start3A_87] : memref<100352xf32, #tpu.memory_space<vmem>> -> memref<6272xf32, #tpu.memory_space<vmem>>
      %dma_start3A_89 = tpu.memref_slice %arg4[%arg0, %run_scoped3A_50, %mul3A_49] : memref<2x16x100352xf32, #tpu.memory_space<hbm>> -> memref<1x1x6272xf32, #tpu.memory_space<hbm>>
      %dma_start3A_90 = tpu.memref_squeeze %dma_start3A_89 : memref<1x1x6272xf32, #tpu.memory_space<hbm>> -> memref<6272xf32, #tpu.memory_space<hbm>>
      tpu.enqueue_dma source(%dma_start3A_90 : memref<6272xf32, #tpu.memory_space<hbm>>) target(%dma_start3A_88 : memref<6272xf32, #tpu.memory_space<vmem>>) target_semaphore(%run_scoped3A_83 : memref<!tpu.dma_semaphore, #tpu.memory_space<semaphore_mem>>)
      %dma_wait3A = arith.constant 75264 : i32
      %dma_wait3A_91 = tpu.memref_slice %arg6[%dma_wait3A] : memref<100352xf32, #tpu.memory_space<vmem>> -> memref<6272xf32, #tpu.memory_space<vmem>>
      %dma_wait3A_92 = tpu.memref_slice %arg4[%arg0, %run_scoped3A_50, %mul3A_49] : memref<2x16x100352xf32, #tpu.memory_space<hbm>> -> memref<1x1x6272xf32, #tpu.memory_space<hbm>>
      %dma_wait3A_93 = tpu.memref_squeeze %dma_wait3A_92 : memref<1x1x6272xf32, #tpu.memory_space<hbm>> -> memref<6272xf32, #tpu.memory_space<hbm>>
      %dma_wait3A_94 = arith.constant 75264 : i32
      %dma_wait3A_95 = tpu.memref_slice %arg6[%dma_wait3A_94] : memref<100352xf32, #tpu.memory_space<vmem>> -> memref<6272xf32, #tpu.memory_space<vmem>>
      %dma_wait3A_96 = tpu.memref_slice %arg4[%arg0, %run_scoped3A_50, %mul3A_49] : memref<2x16x100352xf32, #tpu.memory_space<hbm>> -> memref<1x1x6272xf32, #tpu.memory_space<hbm>>
      %dma_wait3A_97 = tpu.memref_squeeze %dma_wait3A_96 : memref<1x1x6272xf32, #tpu.memory_space<hbm>> -> memref<6272xf32, #tpu.memory_space<hbm>>
      tpu.wait_dma2 semaphore(%run_scoped3A_83 : memref<!tpu.dma_semaphore, #tpu.memory_space<semaphore_mem>>) src(%dma_wait3A_97 : memref<6272xf32, #tpu.memory_space<hbm>>) dst(%dma_wait3A_95 : memref<6272xf32, #tpu.memory_space<vmem>>)
      tpu.yield
    }) : () -> ()
    %mul3A_51 = arith.constant 6272 : i32
    %mul3A_52 = arith.muli %arg1, %mul3A_51 : i32
    %run_scoped3A_53 = arith.constant 13 : i32
    "tpu.region"() ({
      %run_scoped3A_83 = tpu.sem_alloc : memref<!tpu.dma_semaphore, #tpu.memory_space<semaphore_mem>>
      %dma_start3A = arith.constant 81536 : i32
      %dma_start3A_84 = tpu.memref_slice %arg6[%dma_start3A] : memref<100352xf32, #tpu.memory_space<vmem>> -> memref<6272xf32, #tpu.memory_space<vmem>>
      %dma_start3A_85 = tpu.memref_slice %arg4[%arg0, %run_scoped3A_53, %mul3A_52] : memref<2x16x100352xf32, #tpu.memory_space<hbm>> -> memref<1x1x6272xf32, #tpu.memory_space<hbm>>
      %dma_start3A_86 = tpu.memref_squeeze %dma_start3A_85 : memref<1x1x6272xf32, #tpu.memory_space<hbm>> -> memref<6272xf32, #tpu.memory_space<hbm>>
      %dma_start3A_87 = arith.constant 81536 : i32
      %dma_start3A_88 = tpu.memref_slice %arg6[%dma_start3A_87] : memref<100352xf32, #tpu.memory_space<vmem>> -> memref<6272xf32, #tpu.memory_space<vmem>>
      %dma_start3A_89 = tpu.memref_slice %arg4[%arg0, %run_scoped3A_53, %mul3A_52] : memref<2x16x100352xf32, #tpu.memory_space<hbm>> -> memref<1x1x6272xf32, #tpu.memory_space<hbm>>
      %dma_start3A_90 = tpu.memref_squeeze %dma_start3A_89 : memref<1x1x6272xf32, #tpu.memory_space<hbm>> -> memref<6272xf32, #tpu.memory_space<hbm>>
      tpu.enqueue_dma source(%dma_start3A_90 : memref<6272xf32, #tpu.memory_space<hbm>>) target(%dma_start3A_88 : memref<6272xf32, #tpu.memory_space<vmem>>) target_semaphore(%run_scoped3A_83 : memref<!tpu.dma_semaphore, #tpu.memory_space<semaphore_mem>>)
      %dma_wait3A = arith.constant 81536 : i32
      %dma_wait3A_91 = tpu.memref_slice %arg6[%dma_wait3A] : memref<100352xf32, #tpu.memory_space<vmem>> -> memref<6272xf32, #tpu.memory_space<vmem>>
      %dma_wait3A_92 = tpu.memref_slice %arg4[%arg0, %run_scoped3A_53, %mul3A_52] : memref<2x16x100352xf32, #tpu.memory_space<hbm>> -> memref<1x1x6272xf32, #tpu.memory_space<hbm>>
      %dma_wait3A_93 = tpu.memref_squeeze %dma_wait3A_92 : memref<1x1x6272xf32, #tpu.memory_space<hbm>> -> memref<6272xf32, #tpu.memory_space<hbm>>
      %dma_wait3A_94 = arith.constant 81536 : i32
      %dma_wait3A_95 = tpu.memref_slice %arg6[%dma_wait3A_94] : memref<100352xf32, #tpu.memory_space<vmem>> -> memref<6272xf32, #tpu.memory_space<vmem>>
      %dma_wait3A_96 = tpu.memref_slice %arg4[%arg0, %run_scoped3A_53, %mul3A_52] : memref<2x16x100352xf32, #tpu.memory_space<hbm>> -> memref<1x1x6272xf32, #tpu.memory_space<hbm>>
      %dma_wait3A_97 = tpu.memref_squeeze %dma_wait3A_96 : memref<1x1x6272xf32, #tpu.memory_space<hbm>> -> memref<6272xf32, #tpu.memory_space<hbm>>
      tpu.wait_dma2 semaphore(%run_scoped3A_83 : memref<!tpu.dma_semaphore, #tpu.memory_space<semaphore_mem>>) src(%dma_wait3A_97 : memref<6272xf32, #tpu.memory_space<hbm>>) dst(%dma_wait3A_95 : memref<6272xf32, #tpu.memory_space<vmem>>)
      tpu.yield
    }) : () -> ()
    %mul3A_54 = arith.constant 6272 : i32
    %mul3A_55 = arith.muli %arg1, %mul3A_54 : i32
    %run_scoped3A_56 = arith.constant 14 : i32
    "tpu.region"() ({
      %run_scoped3A_83 = tpu.sem_alloc : memref<!tpu.dma_semaphore, #tpu.memory_space<semaphore_mem>>
      %dma_start3A = arith.constant 87808 : i32
      %dma_start3A_84 = tpu.memref_slice %arg6[%dma_start3A] : memref<100352xf32, #tpu.memory_space<vmem>> -> memref<6272xf32, #tpu.memory_space<vmem>>
      %dma_start3A_85 = tpu.memref_slice %arg4[%arg0, %run_scoped3A_56, %mul3A_55] : memref<2x16x100352xf32, #tpu.memory_space<hbm>> -> memref<1x1x6272xf32, #tpu.memory_space<hbm>>
      %dma_start3A_86 = tpu.memref_squeeze %dma_start3A_85 : memref<1x1x6272xf32, #tpu.memory_space<hbm>> -> memref<6272xf32, #tpu.memory_space<hbm>>
      %dma_start3A_87 = arith.constant 87808 : i32
      %dma_start3A_88 = tpu.memref_slice %arg6[%dma_start3A_87] : memref<100352xf32, #tpu.memory_space<vmem>> -> memref<6272xf32, #tpu.memory_space<vmem>>
      %dma_start3A_89 = tpu.memref_slice %arg4[%arg0, %run_scoped3A_56, %mul3A_55] : memref<2x16x100352xf32, #tpu.memory_space<hbm>> -> memref<1x1x6272xf32, #tpu.memory_space<hbm>>
      %dma_start3A_90 = tpu.memref_squeeze %dma_start3A_89 : memref<1x1x6272xf32, #tpu.memory_space<hbm>> -> memref<6272xf32, #tpu.memory_space<hbm>>
      tpu.enqueue_dma source(%dma_start3A_90 : memref<6272xf32, #tpu.memory_space<hbm>>) target(%dma_start3A_88 : memref<6272xf32, #tpu.memory_space<vmem>>) target_semaphore(%run_scoped3A_83 : memref<!tpu.dma_semaphore, #tpu.memory_space<semaphore_mem>>)
      %dma_wait3A = arith.constant 87808 : i32
      %dma_wait3A_91 = tpu.memref_slice %arg6[%dma_wait3A] : memref<100352xf32, #tpu.memory_space<vmem>> -> memref<6272xf32, #tpu.memory_space<vmem>>
      %dma_wait3A_92 = tpu.memref_slice %arg4[%arg0, %run_scoped3A_56, %mul3A_55] : memref<2x16x100352xf32, #tpu.memory_space<hbm>> -> memref<1x1x6272xf32, #tpu.memory_space<hbm>>
      %dma_wait3A_93 = tpu.memref_squeeze %dma_wait3A_92 : memref<1x1x6272xf32, #tpu.memory_space<hbm>> -> memref<6272xf32, #tpu.memory_space<hbm>>
      %dma_wait3A_94 = arith.constant 87808 : i32
      %dma_wait3A_95 = tpu.memref_slice %arg6[%dma_wait3A_94] : memref<100352xf32, #tpu.memory_space<vmem>> -> memref<6272xf32, #tpu.memory_space<vmem>>
      %dma_wait3A_96 = tpu.memref_slice %arg4[%arg0, %run_scoped3A_56, %mul3A_55] : memref<2x16x100352xf32, #tpu.memory_space<hbm>> -> memref<1x1x6272xf32, #tpu.memory_space<hbm>>
      %dma_wait3A_97 = tpu.memref_squeeze %dma_wait3A_96 : memref<1x1x6272xf32, #tpu.memory_space<hbm>> -> memref<6272xf32, #tpu.memory_space<hbm>>
      tpu.wait_dma2 semaphore(%run_scoped3A_83 : memref<!tpu.dma_semaphore, #tpu.memory_space<semaphore_mem>>) src(%dma_wait3A_97 : memref<6272xf32, #tpu.memory_space<hbm>>) dst(%dma_wait3A_95 : memref<6272xf32, #tpu.memory_space<vmem>>)
      tpu.yield
    }) : () -> ()
    %mul3A_57 = arith.constant 6272 : i32
    %mul3A_58 = arith.muli %arg1, %mul3A_57 : i32
    %run_scoped3A_59 = arith.constant 15 : i32
    "tpu.region"() ({
      %run_scoped3A_83 = tpu.sem_alloc : memref<!tpu.dma_semaphore, #tpu.memory_space<semaphore_mem>>
      %dma_start3A = arith.constant 94080 : i32
      %dma_start3A_84 = tpu.memref_slice %arg6[%dma_start3A] : memref<100352xf32, #tpu.memory_space<vmem>> -> memref<6272xf32, #tpu.memory_space<vmem>>
      %dma_start3A_85 = tpu.memref_slice %arg4[%arg0, %run_scoped3A_59, %mul3A_58] : memref<2x16x100352xf32, #tpu.memory_space<hbm>> -> memref<1x1x6272xf32, #tpu.memory_space<hbm>>
      %dma_start3A_86 = tpu.memref_squeeze %dma_start3A_85 : memref<1x1x6272xf32, #tpu.memory_space<hbm>> -> memref<6272xf32, #tpu.memory_space<hbm>>
      %dma_start3A_87 = arith.constant 94080 : i32
      %dma_start3A_88 = tpu.memref_slice %arg6[%dma_start3A_87] : memref<100352xf32, #tpu.memory_space<vmem>> -> memref<6272xf32, #tpu.memory_space<vmem>>
      %dma_start3A_89 = tpu.memref_slice %arg4[%arg0, %run_scoped3A_59, %mul3A_58] : memref<2x16x100352xf32, #tpu.memory_space<hbm>> -> memref<1x1x6272xf32, #tpu.memory_space<hbm>>
      %dma_start3A_90 = tpu.memref_squeeze %dma_start3A_89 : memref<1x1x6272xf32, #tpu.memory_space<hbm>> -> memref<6272xf32, #tpu.memory_space<hbm>>
      tpu.enqueue_dma source(%dma_start3A_90 : memref<6272xf32, #tpu.memory_space<hbm>>) target(%dma_start3A_88 : memref<6272xf32, #tpu.memory_space<vmem>>) target_semaphore(%run_scoped3A_83 : memref<!tpu.dma_semaphore, #tpu.memory_space<semaphore_mem>>)
      %dma_wait3A = arith.constant 94080 : i32
      %dma_wait3A_91 = tpu.memref_slice %arg6[%dma_wait3A] : memref<100352xf32, #tpu.memory_space<vmem>> -> memref<6272xf32, #tpu.memory_space<vmem>>
      %dma_wait3A_92 = tpu.memref_slice %arg4[%arg0, %run_scoped3A_59, %mul3A_58] : memref<2x16x100352xf32, #tpu.memory_space<hbm>> -> memref<1x1x6272xf32, #tpu.memory_space<hbm>>
      %dma_wait3A_93 = tpu.memref_squeeze %dma_wait3A_92 : memref<1x1x6272xf32, #tpu.memory_space<hbm>> -> memref<6272xf32, #tpu.memory_space<hbm>>
      %dma_wait3A_94 = arith.constant 94080 : i32
      %dma_wait3A_95 = tpu.memref_slice %arg6[%dma_wait3A_94] : memref<100352xf32, #tpu.memory_space<vmem>> -> memref<6272xf32, #tpu.memory_space<vmem>>
      %dma_wait3A_96 = tpu.memref_slice %arg4[%arg0, %run_scoped3A_59, %mul3A_58] : memref<2x16x100352xf32, #tpu.memory_space<hbm>> -> memref<1x1x6272xf32, #tpu.memory_space<hbm>>
      %dma_wait3A_97 = tpu.memref_squeeze %dma_wait3A_96 : memref<1x1x6272xf32, #tpu.memory_space<hbm>> -> memref<6272xf32, #tpu.memory_space<hbm>>
      tpu.wait_dma2 semaphore(%run_scoped3A_83 : memref<!tpu.dma_semaphore, #tpu.memory_space<semaphore_mem>>) src(%dma_wait3A_97 : memref<6272xf32, #tpu.memory_space<hbm>>) dst(%dma_wait3A_95 : memref<6272xf32, #tpu.memory_space<vmem>>)
      tpu.yield
    }) : () -> ()
    %scan3A_60 = arith.constant 0 : i32
    %scan3A_61 = arith.constant 0 : i32
    %scan3A_62 = arith.constant 392 : i32
    %scan3A_63 = arith.addi %scan3A_61, %scan3A_62 : i32
    %scan3A_64 = arith.constant 1 : i32
    scf.for %scan3A_83 = %scan3A_61 to %scan3A_63 step %scan3A_64  : i32 {
      %mul3A_84 = arith.constant 16 : i32
      %mul3A_85 = arith.muli %scan3A_83, %mul3A_84 : i32
      %get3A = arith.index_cast %mul3A_85 : i32 to index
      %get3A_86 = tpu.vector_load %arg6[%get3A] {strides = array<i32>} : memref<100352xf32, #tpu.memory_space<vmem>>, vector<16xf32>,
      %mul3A_87 = arith.constant 16 : i32
      %mul3A_88 = arith.muli %scan3A_83, %mul3A_87 : i32
      %add3A_89 = arith.constant 6272 : i32
      %add3A_90 = arith.addi %add3A_89, %mul3A_88 : i32
      %get3A_91 = arith.index_cast %add3A_90 : i32 to index
      %get3A_92 = tpu.vector_load %arg6[%get3A_91] {strides = array<i32>} : memref<100352xf32, #tpu.memory_space<vmem>>, vector<16xf32>,
      %add3A_93 = arith.addf %get3A_86, %get3A_92 : vector<16xf32>
      %mul3A_94 = arith.constant 16 : i32
      %mul3A_95 = arith.muli %scan3A_83, %mul3A_94 : i32
      %add3A_96 = arith.constant 12544 : i32
      %add3A_97 = arith.addi %add3A_96, %mul3A_95 : i32
      %get3A_98 = arith.index_cast %add3A_97 : i32 to index
      %get3A_99 = tpu.vector_load %arg6[%get3A_98] {strides = array<i32>} : memref<100352xf32, #tpu.memory_space<vmem>>, vector<16xf32>,
      %add3A_100 = arith.addf %add3A_93, %get3A_99 : vector<16xf32>
      %mul3A_101 = arith.constant 16 : i32
      %mul3A_102 = arith.muli %scan3A_83, %mul3A_101 : i32
      %add3A_103 = arith.constant 18816 : i32
      %add3A_104 = arith.addi %add3A_103, %mul3A_102 : i32
      %get3A_105 = arith.index_cast %add3A_104 : i32 to index
      %get3A_106 = tpu.vector_load %arg6[%get3A_105] {strides = array<i32>} : memref<100352xf32, #tpu.memory_space<vmem>>, vector<16xf32>,
      %add3A_107 = arith.addf %add3A_100, %get3A_106 : vector<16xf32>
      %mul3A_108 = arith.constant 16 : i32
      %mul3A_109 = arith.muli %scan3A_83, %mul3A_108 : i32
      %add3A_110 = arith.constant 25088 : i32
      %add3A_111 = arith.addi %add3A_110, %mul3A_109 : i32
      %get3A_112 = arith.index_cast %add3A_111 : i32 to index
      %get3A_113 = tpu.vector_load %arg6[%get3A_112] {strides = array<i32>} : memref<100352xf32, #tpu.memory_space<vmem>>, vector<16xf32>,
      %add3A_114 = arith.addf %add3A_107, %get3A_113 : vector<16xf32>
      %mul3A_115 = arith.constant 16 : i32
      %mul3A_116 = arith.muli %scan3A_83, %mul3A_115 : i32
      %add3A_117 = arith.constant 31360 : i32
      %add3A_118 = arith.addi %add3A_117, %mul3A_116 : i32
      %get3A_119 = arith.index_cast %add3A_118 : i32 to index
      %get3A_120 = tpu.vector_load %arg6[%get3A_119] {strides = array<i32>} : memref<100352xf32, #tpu.memory_space<vmem>>, vector<16xf32>,
      %add3A_121 = arith.addf %add3A_114, %get3A_120 : vector<16xf32>
      %mul3A_122 = arith.constant 16 : i32
      %mul3A_123 = arith.muli %scan3A_83, %mul3A_122 : i32
      %add3A_124 = arith.constant 37632 : i32
      %add3A_125 = arith.addi %add3A_124, %mul3A_123 : i32
      %get3A_126 = arith.index_cast %add3A_125 : i32 to index
      %get3A_127 = tpu.vector_load %arg6[%get3A_126] {strides = array<i32>} : memref<100352xf32, #tpu.memory_space<vmem>>, vector<16xf32>,
      %add3A_128 = arith.addf %add3A_121, %get3A_127 : vector<16xf32>
      %mul3A_129 = arith.constant 16 : i32
      %mul3A_130 = arith.muli %scan3A_83, %mul3A_129 : i32
      %add3A_131 = arith.constant 43904 : i32
      %add3A_132 = arith.addi %add3A_131, %mul3A_130 : i32
      %get3A_133 = arith.index_cast %add3A_132 : i32 to index
      %get3A_134 = tpu.vector_load %arg6[%get3A_133] {strides = array<i32>} : memref<100352xf32, #tpu.memory_space<vmem>>, vector<16xf32>,
      %add3A_135 = arith.addf %add3A_128, %get3A_134 : vector<16xf32>
      %mul3A_136 = arith.constant 16 : i32
      %mul3A_137 = arith.muli %scan3A_83, %mul3A_136 : i32
      %add3A_138 = arith.constant 50176 : i32
      %add3A_139 = arith.addi %add3A_138, %mul3A_137 : i32
      %get3A_140 = arith.index_cast %add3A_139 : i32 to index
      %get3A_141 = tpu.vector_load %arg6[%get3A_140] {strides = array<i32>} : memref<100352xf32, #tpu.memory_space<vmem>>, vector<16xf32>,
      %add3A_142 = arith.addf %add3A_135, %get3A_141 : vector<16xf32>
      %mul3A_143 = arith.constant 16 : i32
      %mul3A_144 = arith.muli %scan3A_83, %mul3A_143 : i32
      %add3A_145 = arith.constant 56448 : i32
      %add3A_146 = arith.addi %add3A_145, %mul3A_144 : i32
      %get3A_147 = arith.index_cast %add3A_146 : i32 to index
      %get3A_148 = tpu.vector_load %arg6[%get3A_147] {strides = array<i32>} : memref<100352xf32, #tpu.memory_space<vmem>>, vector<16xf32>,
      %add3A_149 = arith.addf %add3A_142, %get3A_148 : vector<16xf32>
      %mul3A_150 = arith.constant 16 : i32
      %mul3A_151 = arith.muli %scan3A_83, %mul3A_150 : i32
      %add3A_152 = arith.constant 62720 : i32
      %add3A_153 = arith.addi %add3A_152, %mul3A_151 : i32
      %get3A_154 = arith.index_cast %add3A_153 : i32 to index
      %get3A_155 = tpu.vector_load %arg6[%get3A_154] {strides = array<i32>} : memref<100352xf32, #tpu.memory_space<vmem>>, vector<16xf32>,
      %add3A_156 = arith.addf %add3A_149, %get3A_155 : vector<16xf32>
      %mul3A_157 = arith.constant 16 : i32
      %mul3A_158 = arith.muli %scan3A_83, %mul3A_157 : i32
      %add3A_159 = arith.constant 68992 : i32
      %add3A_160 = arith.addi %add3A_159, %mul3A_158 : i32
      %get3A_161 = arith.index_cast %add3A_160 : i32 to index
      %get3A_162 = tpu.vector_load %arg6[%get3A_161] {strides = array<i32>} : memref<100352xf32, #tpu.memory_space<vmem>>, vector<16xf32>,
      %add3A_163 = arith.addf %add3A_156, %get3A_162 : vector<16xf32>
      %mul3A_164 = arith.constant 16 : i32
      %mul3A_165 = arith.muli %scan3A_83, %mul3A_164 : i32
      %add3A_166 = arith.constant 75264 : i32
      %add3A_167 = arith.addi %add3A_166, %mul3A_165 : i32
      %get3A_168 = arith.index_cast %add3A_167 : i32 to index
      %get3A_169 = tpu.vector_load %arg6[%get3A_168] {strides = array<i32>} : memref<100352xf32, #tpu.memory_space<vmem>>, vector<16xf32>,
      %add3A_170 = arith.addf %add3A_163, %get3A_169 : vector<16xf32>
      %mul3A_171 = arith.constant 16 : i32
      %mul3A_172 = arith.muli %scan3A_83, %mul3A_171 : i32
      %add3A_173 = arith.constant 81536 : i32
      %add3A_174 = arith.addi %add3A_173, %mul3A_172 : i32
      %get3A_175 = arith.index_cast %add3A_174 : i32 to index
      %get3A_176 = tpu.vector_load %arg6[%get3A_175] {strides = array<i32>} : memref<100352xf32, #tpu.memory_space<vmem>>, vector<16xf32>,
      %add3A_177 = arith.addf %add3A_170, %get3A_176 : vector<16xf32>
      %mul3A_178 = arith.constant 16 : i32
      %mul3A_179 = arith.muli %scan3A_83, %mul3A_178 : i32
      %add3A_180 = arith.constant 87808 : i32
      %add3A_181 = arith.addi %add3A_180, %mul3A_179 : i32
      %get3A_182 = arith.index_cast %add3A_181 : i32 to index
      %get3A_183 = tpu.vector_load %arg6[%get3A_182] {strides = array<i32>} : memref<100352xf32, #tpu.memory_space<vmem>>, vector<16xf32>,
      %add3A_184 = arith.addf %add3A_177, %get3A_183 : vector<16xf32>
      %mul3A_185 = arith.constant 16 : i32
      %mul3A_186 = arith.muli %scan3A_83, %mul3A_185 : i32
      %add3A_187 = arith.constant 94080 : i32
      %add3A_188 = arith.addi %add3A_187, %mul3A_186 : i32
      %get3A_189 = arith.index_cast %add3A_188 : i32 to index
      %get3A_190 = tpu.vector_load %arg6[%get3A_189] {strides = array<i32>} : memref<100352xf32, #tpu.memory_space<vmem>>, vector<16xf32>,
      %add3A_191 = arith.addf %add3A_184, %get3A_190 : vector<16xf32>
      %add3A_192 = arith.constant 1.000000e+00 : f32
      %add3A_193 = vector.broadcast %add3A_192 : f32 to vector<16xf32>
      %add3A_194 = arith.addf %add3A_191, %add3A_193 : vector<16xf32>
      %mul3A_195 = arith.constant 5.000000e-01 : f32
      %mul3A_196 = vector.broadcast %mul3A_195 : f32 to vector<16xf32>
      %mul3A_197 = arith.mulf %mul3A_196, %add3A_194 : vector<16xf32>
      %bitcast_convert_type3A = tpu.bitcast %add3A_194 : vector<16xf32> -> vector<16xi32>
      %shift_right_logical3A = arith.constant 1 : i32
      %shift_right_logical3A_198 = vector.broadcast %shift_right_logical3A : i32 to vector<16xi32>
      %shift_right_logical3A_199 = arith.shrui %bitcast_convert_type3A, %shift_right_logical3A_198 : vector<16xi32>
      %sub3A = arith.constant 1597463007 : i32
      %sub3A_200 = vector.broadcast %sub3A : i32 to vector<16xi32>
      %sub3A_201 = arith.subi %sub3A_200, %shift_right_logical3A_199 : vector<16xi32>
      %bitcast_convert_type3A_202 = tpu.bitcast %sub3A_201 : vector<16xi32> -> vector<16xf32>
      %mul3A_203 = arith.mulf %mul3A_197, %bitcast_convert_type3A_202 : vector<16xf32>
      %mul3A_204 = arith.mulf %mul3A_203, %bitcast_convert_type3A_202 : vector<16xf32>
      %sub3A_205 = arith.constant 1.500000e+00 : f32
      %sub3A_206 = vector.broadcast %sub3A_205 : f32 to vector<16xf32>
      %sub3A_207 = arith.subf %sub3A_206, %mul3A_204 : vector<16xf32>
      %mul3A_208 = arith.mulf %bitcast_convert_type3A_202, %sub3A_207 : vector<16xf32>
      %mul3A_209 = arith.mulf %mul3A_197, %mul3A_208 : vector<16xf32>
      %mul3A_210 = arith.mulf %mul3A_209, %mul3A_208 : vector<16xf32>
      %sub3A_211 = arith.constant 1.500000e+00 : f32
      %sub3A_212 = vector.broadcast %sub3A_211 : f32 to vector<16xf32>
      %sub3A_213 = arith.subf %sub3A_212, %mul3A_210 : vector<16xf32>
      %mul3A_214 = arith.mulf %mul3A_208, %sub3A_213 : vector<16xf32>
      %mul3A_215 = arith.mulf %mul3A_197, %mul3A_214 : vector<16xf32>
      %mul3A_216 = arith.mulf %mul3A_215, %mul3A_214 : vector<16xf32>
      %sub3A_217 = arith.constant 1.500000e+00 : f32
      %sub3A_218 = vector.broadcast %sub3A_217 : f32 to vector<16xf32>
      %sub3A_219 = arith.subf %sub3A_218, %mul3A_216 : vector<16xf32>
      %mul3A_220 = arith.mulf %mul3A_214, %sub3A_219 : vector<16xf32>
      %mul3A_221 = arith.constant 16 : i32
      %mul3A_222 = arith.muli %scan3A_83, %mul3A_221 : i32
      %swap3A = arith.index_cast %mul3A_222 : i32 to index
      %swap3A_223 = tpu.vector_load %arg6[%swap3A] {strides = array<i32>} : memref<100352xf32, #tpu.memory_space<vmem>>, vector<16xf32>,
      tpu.vector_store %arg6[%swap3A], %mul3A_220 {strides = array<i32>} : memref<100352xf32, #tpu.memory_space<vmem>>, vector<16xf32>,
    }
    %scan3A_65 = arith.constant 392 : i32
    %mul3A_66 = arith.constant 6272 : i32
    %mul3A_67 = arith.muli %arg1, %mul3A_66 : i32
    "tpu.region"() ({
      %run_scoped3A_83 = tpu.sem_alloc : memref<!tpu.dma_semaphore, #tpu.memory_space<semaphore_mem>>
      %dma_start3A = arith.constant 0 : i32
      %dma_start3A_84 = tpu.memref_slice %arg6[%dma_start3A] : memref<100352xf32, #tpu.memory_space<vmem>> -> memref<6272xf32, #tpu.memory_space<vmem>>
      %dma_start3A_85 = tpu.memref_slice %arg9[%mul3A_67] : memref<100352xf32, #tpu.memory_space<vmem_shared>> -> memref<6272xf32, #tpu.memory_space<vmem_shared>>
      %dma_start3A_86 = tpu.memref_slice %arg9[%mul3A_67] : memref<100352xf32, #tpu.memory_space<vmem_shared>> -> memref<6272xf32, #tpu.memory_space<vmem_shared>>
      %dma_start3A_87 = arith.constant 0 : i32
      %dma_start3A_88 = tpu.memref_slice %arg6[%dma_start3A_87] : memref<100352xf32, #tpu.memory_space<vmem>> -> memref<6272xf32, #tpu.memory_space<vmem>>
      tpu.enqueue_dma source(%dma_start3A_88 : memref<6272xf32, #tpu.memory_space<vmem>>) target(%dma_start3A_86 : memref<6272xf32, #tpu.memory_space<vmem_shared>>) target_semaphore(%run_scoped3A_83 : memref<!tpu.dma_semaphore, #tpu.memory_space<semaphore_mem>>)
      %dma_wait3A = arith.constant 0 : i32
      %dma_wait3A_89 = tpu.memref_slice %arg6[%dma_wait3A] : memref<100352xf32, #tpu.memory_space<vmem>> -> memref<6272xf32, #tpu.memory_space<vmem>>
      %dma_wait3A_90 = tpu.memref_slice %arg9[%mul3A_67] : memref<100352xf32, #tpu.memory_space<vmem_shared>> -> memref<6272xf32, #tpu.memory_space<vmem_shared>>
      %dma_wait3A_91 = tpu.memref_slice %arg9[%mul3A_67] : memref<100352xf32, #tpu.memory_space<vmem_shared>> -> memref<6272xf32, #tpu.memory_space<vmem_shared>>
      %dma_wait3A_92 = arith.constant 0 : i32
      %dma_wait3A_93 = tpu.memref_slice %arg6[%dma_wait3A_92] : memref<100352xf32, #tpu.memory_space<vmem>> -> memref<6272xf32, #tpu.memory_space<vmem>>
      tpu.wait_dma2 semaphore(%run_scoped3A_83 : memref<!tpu.dma_semaphore, #tpu.memory_space<semaphore_mem>>) src(%dma_wait3A_93 : memref<6272xf32, #tpu.memory_space<vmem>>) dst(%dma_wait3A_91 : memref<6272xf32, #tpu.memory_space<vmem_shared>>)
      tpu.yield
    }) : () -> ()
    %barrier3A_68 = arith.constant 0 : index
    tpu.barrier barrier_id(%barrier3A_68)
    %scan3A_69 = arith.constant 0 : i32
    %scan3A_70 = arith.constant 0 : i32
    %scan3A_71 = arith.constant 6272 : i32
    %scan3A_72 = arith.addi %scan3A_70, %scan3A_71 : i32
    %scan3A_73 = arith.constant 1 : i32
    scf.for %scan3A_83 = %scan3A_70 to %scan3A_72 step %scan3A_73  : i32 {
      %mul3A_84 = arith.constant 16 : i32
      %mul3A_85 = arith.muli %scan3A_83, %mul3A_84 : i32
      %swap3A = arith.index_cast %mul3A_85 : i32 to index
      %swap3A_86 = tpu.vector_load %arg6[%swap3A] {strides = array<i32>} : memref<100352xf32, #tpu.memory_space<vmem>>, vector<16xf32>,
      tpu.vector_store %arg6[%swap3A], %broadcast_in_dim3A_2 {strides = array<i32>} : memref<100352xf32, #tpu.memory_space<vmem>>, vector<16xf32>,
    }
    %scan3A_74 = arith.constant 6272 : i32
    %mul3A_75 = arith.constant 2 : i32
    %mul3A_76 = arith.muli %arg1, %mul3A_75 : i32
    %add3A = arith.addi %mul3A_76, %arg0 : i32
    %scan3A_77 = arith.constant 0 : i32
    %scan3A_78 = arith.constant 0 : i32
    %scan3A_79 = arith.constant 5 : i32
    %scan3A_80 = arith.addi %scan3A_78, %scan3A_79 : i32
    %scan3A_81 = arith.constant 1 : i32
    scf.for %scan3A_83 = %scan3A_78 to %scan3A_80 step %scan3A_81  : i32 {
      %mul3A_84 = arith.constant 50000 : i32
      %mul3A_85 = arith.muli %add3A, %mul3A_84 : i32
      %mul3A_86 = arith.constant 10000 : i32
      %mul3A_87 = arith.muli %scan3A_83, %mul3A_86 : i32
      %add3A_88 = arith.addi %mul3A_85, %mul3A_87 : i32
      "tpu.region"() ({
        %run_scoped3A_95 = tpu.sem_alloc : memref<!tpu.dma_semaphore, #tpu.memory_space<semaphore_mem>>
        %dma_start3A = tpu.memref_slice %arg3[%add3A_88] : memref<1600000xi32, #tpu.memory_space<hbm>> -> memref<10000xi32, #tpu.memory_space<hbm>>
        %dma_start3A_96 = tpu.memref_slice %arg3[%add3A_88] : memref<1600000xi32, #tpu.memory_space<hbm>> -> memref<10000xi32, #tpu.memory_space<hbm>>
        tpu.enqueue_dma source(%dma_start3A_96 : memref<10000xi32, #tpu.memory_space<hbm>>) target(%arg7 : memref<10000xi32, #tpu.memory_space<vmem>>) target_semaphore(%run_scoped3A_95 : memref<!tpu.dma_semaphore, #tpu.memory_space<semaphore_mem>>)
        %dma_wait3A = tpu.memref_slice %arg3[%add3A_88] : memref<1600000xi32, #tpu.memory_space<hbm>> -> memref<10000xi32, #tpu.memory_space<hbm>>
        %dma_wait3A_97 = tpu.memref_slice %arg3[%add3A_88] : memref<1600000xi32, #tpu.memory_space<hbm>> -> memref<10000xi32, #tpu.memory_space<hbm>>
        tpu.wait_dma2 semaphore(%run_scoped3A_95 : memref<!tpu.dma_semaphore, #tpu.memory_space<semaphore_mem>>) src(%dma_wait3A_97 : memref<10000xi32, #tpu.memory_space<hbm>>) dst(%arg7 : memref<10000xi32, #tpu.memory_space<vmem>>)
        tpu.yield
      }) : () -> ()
      "tpu.region"() ({
        %run_scoped3A_95 = tpu.sem_alloc : memref<!tpu.dma_semaphore, #tpu.memory_space<semaphore_mem>>
        %dma_start3A = arith.constant 0 : i32
        %dma_start3A_96 = tpu.memref_slice %arg9[%dma_start3A] : memref<100352xf32, #tpu.memory_space<vmem_shared>> -> memref<100352xf32, #tpu.memory_space<vmem_shared>>
        tpu.enqueue_indirect_dma source(%dma_start3A_96 : memref<100352xf32, #tpu.memory_space<vmem_shared>>) target(%arg8 : memref<10000xf32, #tpu.memory_space<vmem>>) offsets(%arg7 : memref<10000xi32, #tpu.memory_space<vmem>>) semaphore(%run_scoped3A_95 : memref<!tpu.dma_semaphore, #tpu.memory_space<semaphore_mem>>)
        %dma_wait3A = arith.constant 0 : i32
        %dma_wait3A_97 = tpu.memref_slice %arg9[%dma_wait3A] : memref<100352xf32, #tpu.memory_space<vmem_shared>> -> memref<100352xf32, #tpu.memory_space<vmem_shared>>
        tpu.wait_indirect_dma semaphore(%run_scoped3A_95 : memref<!tpu.dma_semaphore, #tpu.memory_space<semaphore_mem>>) src(%dma_wait3A_97 : memref<100352xf32, #tpu.memory_space<vmem_shared>>) dst(%arg8 : memref<10000xf32, #tpu.memory_space<vmem>>)
        tpu.yield
      }) : () -> ()
      "tpu.region"() ({
        %run_scoped3A_95 = tpu.sem_alloc : memref<!tpu.dma_semaphore, #tpu.memory_space<semaphore_mem>>
        %dma_start3A = tpu.memref_slice %arg2[%add3A_88] : memref<1600000xi32, #tpu.memory_space<hbm>> -> memref<10000xi32, #tpu.memory_space<hbm>>
        %dma_start3A_96 = tpu.memref_slice %arg2[%add3A_88] : memref<1600000xi32, #tpu.memory_space<hbm>> -> memref<10000xi32, #tpu.memory_space<hbm>>
        tpu.enqueue_dma source(%dma_start3A_96 : memref<10000xi32, #tpu.memory_space<hbm>>) target(%arg7 : memref<10000xi32, #tpu.memory_space<vmem>>) target_semaphore(%run_scoped3A_95 : memref<!tpu.dma_semaphore, #tpu.memory_space<semaphore_mem>>)
        %dma_wait3A = tpu.memref_slice %arg2[%add3A_88] : memref<1600000xi32, #tpu.memory_space<hbm>> -> memref<10000xi32, #tpu.memory_space<hbm>>
        %dma_wait3A_97 = tpu.memref_slice %arg2[%add3A_88] : memref<1600000xi32, #tpu.memory_space<hbm>> -> memref<10000xi32, #tpu.memory_space<hbm>>
        tpu.wait_dma2 semaphore(%run_scoped3A_95 : memref<!tpu.dma_semaphore, #tpu.memory_space<semaphore_mem>>) src(%dma_wait3A_97 : memref<10000xi32, #tpu.memory_space<hbm>>) dst(%arg7 : memref<10000xi32, #tpu.memory_space<vmem>>)
        tpu.yield
      }) : () -> ()
      %scan3A_89 = arith.constant 0 : i32
      %scan3A_90 = arith.constant 0 : i32
      %scan3A_91 = arith.constant 625 : i32
      %scan3A_92 = arith.addi %scan3A_90, %scan3A_91 : i32
      %scan3A_93 = arith.constant 1 : i32
      scf.for %scan3A_95 = %scan3A_90 to %scan3A_92 step %scan3A_93  : i32 {
        %mul3A_96 = arith.constant 16 : i32
        %mul3A_97 = arith.muli %scan3A_95, %mul3A_96 : i32
        %get3A = arith.index_cast %mul3A_97 : i32 to index
        %get3A_98 = tpu.vector_load %arg7[%get3A] {strides = array<i32>} : memref<10000xi32, #tpu.memory_space<vmem>>, vector<16xi32>,
        %mul3A_99 = arith.constant 16 : i32
        %mul3A_100 = arith.muli %scan3A_95, %mul3A_99 : i32
        %get3A_101 = arith.index_cast %mul3A_100 : i32 to index
        %get3A_102 = tpu.vector_load %arg8[%get3A_101] {strides = array<i32>} : memref<10000xf32, #tpu.memory_space<vmem>>, vector<16xf32>,
        tpu.vector_store_idx %arg6[%get3A_98], %get3A_102 {add = true} : memref<100352xf32, #tpu.memory_space<vmem>>[vector<16xi32>], vector<16xf32>,
      }
      %scan3A_94 = arith.constant 625 : i32
    }
    %scan3A_82 = arith.constant 5 : i32
    "tpu.region"() ({
      %run_scoped3A_83 = tpu.sem_alloc : memref<!tpu.dma_semaphore, #tpu.memory_space<semaphore_mem>>
      %dma_start3A = arith.constant 0 : i32
      %dma_start3A_84 = tpu.memref_slice %arg5[%arg0, %arg1, %dma_start3A] : memref<2x16x100352xf32, #tpu.memory_space<hbm>> -> memref<1x1x100352xf32, #tpu.memory_space<hbm>>
      %dma_start3A_85 = tpu.memref_squeeze %dma_start3A_84 : memref<1x1x100352xf32, #tpu.memory_space<hbm>> -> memref<100352xf32, #tpu.memory_space<hbm>>
      %dma_start3A_86 = arith.constant 0 : i32
      %dma_start3A_87 = tpu.memref_slice %arg5[%arg0, %arg1, %dma_start3A_86] : memref<2x16x100352xf32, #tpu.memory_space<hbm>> -> memref<1x1x100352xf32, #tpu.memory_space<hbm>>
      %dma_start3A_88 = tpu.memref_squeeze %dma_start3A_87 : memref<1x1x100352xf32, #tpu.memory_space<hbm>> -> memref<100352xf32, #tpu.memory_space<hbm>>
      tpu.enqueue_dma source(%arg6 : memref<100352xf32, #tpu.memory_space<vmem>>) target(%dma_start3A_88 : memref<100352xf32, #tpu.memory_space<hbm>>) target_semaphore(%run_scoped3A_83 : memref<!tpu.dma_semaphore, #tpu.memory_space<semaphore_mem>>)
      %dma_wait3A = arith.constant 0 : i32
      %dma_wait3A_89 = tpu.memref_slice %arg5[%arg0, %arg1, %dma_wait3A] : memref<2x16x100352xf32, #tpu.memory_space<hbm>> -> memref<1x1x100352xf32, #tpu.memory_space<hbm>>
      %dma_wait3A_90 = tpu.memref_squeeze %dma_wait3A_89 : memref<1x1x100352xf32, #tpu.memory_space<hbm>> -> memref<100352xf32, #tpu.memory_space<hbm>>
      %dma_wait3A_91 = arith.constant 0 : i32
      %dma_wait3A_92 = tpu.memref_slice %arg5[%arg0, %arg1, %dma_wait3A_91] : memref<2x16x100352xf32, #tpu.memory_space<hbm>> -> memref<1x1x100352xf32, #tpu.memory_space<hbm>>
      %dma_wait3A_93 = tpu.memref_squeeze %dma_wait3A_92 : memref<1x1x100352xf32, #tpu.memory_space<hbm>> -> memref<100352xf32, #tpu.memory_space<hbm>>
      tpu.wait_dma2 semaphore(%run_scoped3A_83 : memref<!tpu.dma_semaphore, #tpu.memory_space<semaphore_mem>>) src(%arg6 : memref<100352xf32, #tpu.memory_space<vmem>>) dst(%dma_wait3A_93 : memref<100352xf32, #tpu.memory_space<hbm>>)
      tpu.yield
    }) : () -> ()
    return
  }
}

module attributes {stable_mosaic.version = 14 : i64} {
  func.func @_tc_tail_body(%arg0: memref<16x784x128xf32, #tpu.memory_space<vmem>>, %arg1: memref<32x784x128xf32, #tpu.memory_space<vmem>>, %arg2: memref<3x784x128xf32, #tpu.memory_space<vmem>>, %arg3: memref<3x64xf32, #tpu.memory_space<vmem>>, %arg4: memref<64x256xf32, #tpu.memory_space<vmem>>, %arg5: memref<64x256xf32, #tpu.memory_space<vmem>>, %arg6: memref<256xf32, #tpu.memory_space<vmem>>, %arg7: memref<64x32xf32, #tpu.memory_space<vmem>>, %arg8: memref<32xf32, #tpu.memory_space<vmem>>, %arg9: memref<32x2xf32, #tpu.memory_space<vmem>>, %arg10: memref<2xf32, #tpu.memory_space<vmem>>, %arg11: memref<1x2xf32, #tpu.memory_space<vmem>>) attributes {dimension_semantics = [], scalar_prefetch = 0 : i64, scratch_operands = 0 : i64, tpu.core_type = #tpu.core_type<tc>} {
    %get3A = arith.constant 0 : index
    %get3A_0 = arith.constant 0 : index
    %get3A_1 = vector.load %arg3[%get3A, %get3A_0] : memref<3x64xf32, #tpu.memory_space<vmem>>, vector<3x64xf32>
    %broadcast_in_dim3A = arith.constant 0.000000e+00 : f32
    %broadcast_in_dim3A_2 = vector.broadcast %broadcast_in_dim3A : f32 to vector<3x64xf32>
    %get3A_3 = arith.constant 0 : index
    %get3A_4 = arith.constant 0 : index
    %get3A_5 = vector.load %arg4[%get3A_3, %get3A_4] : memref<64x256xf32, #tpu.memory_space<vmem>>, vector<64x256xf32>
    %convert_element_type3A = arith.truncf %get3A_5 : vector<64x256xf32> to vector<64x256xbf16>
    %convert_element_type3A_6 = arith.extf %convert_element_type3A : vector<64x256xbf16> to vector<64x256xf32>
    %get3A_7 = arith.constant 0 : index
    %get3A_8 = arith.constant 0 : index
    %get3A_9 = vector.load %arg5[%get3A_7, %get3A_8] : memref<64x256xf32, #tpu.memory_space<vmem>>, vector<64x256xf32>
    %convert_element_type3A_10 = arith.truncf %get3A_9 : vector<64x256xf32> to vector<64x256xbf16>
    %convert_element_type3A_11 = arith.extf %convert_element_type3A_10 : vector<64x256xbf16> to vector<64x256xf32>
    %get3A_12 = arith.constant 0 : index
    %get3A_13 = vector.load %arg6[%get3A_12] : memref<256xf32, #tpu.memory_space<vmem>>, vector<256xf32>
    %convert_element_type3A_14 = arith.truncf %get3A_1 : vector<3x64xf32> to vector<3x64xbf16>
    %convert_element_type3A_15 = arith.extf %convert_element_type3A_14 : vector<3x64xbf16> to vector<3x64xf32>
    %dot_general3A = arith.constant dense<0.000000e+00> : vector<3x256xf32>
    %dot_general3A_16 = tpu.matmul %convert_element_type3A_15, %convert_element_type3A_6, %dot_general3A {dimension_numbers = #tpu.dot_dimension_numbers<[1], [0], [0], [1], [0, 0, 1, 1], [], []>, precision = #tpu.contract_precision<fp32>, transpose_lhs_hint = false} : vector<3x64xf32>, vector<64x256xf32>, vector<3x256xf32> -> vector<3x256xf32>
    %convert_element_type3A_17 = arith.truncf %get3A_1 : vector<3x64xf32> to vector<3x64xbf16>
    %convert_element_type3A_18 = arith.extf %convert_element_type3A_17 : vector<3x64xbf16> to vector<3x64xf32>
    %dot_general3A_19 = arith.constant dense<0.000000e+00> : vector<3x256xf32>
    %dot_general3A_20 = tpu.matmul %convert_element_type3A_18, %convert_element_type3A_11, %dot_general3A_19 {dimension_numbers = #tpu.dot_dimension_numbers<[1], [0], [0], [1], [0, 0, 1, 1], [], []>, precision = #tpu.contract_precision<fp32>, transpose_lhs_hint = false} : vector<3x64xf32>, vector<64x256xf32>, vector<3x256xf32> -> vector<3x256xf32>
    %add3A = arith.addf %dot_general3A_16, %dot_general3A_20 : vector<3x256xf32>
    %broadcast_in_dim3A_21 = vector.shape_cast %get3A_13 : vector<256xf32> to vector<1x256xf32>
    %add3A_22 = vector.broadcast %broadcast_in_dim3A_21 : vector<1x256xf32> to vector<3x256xf32>
    %add3A_23 = arith.addf %add3A, %add3A_22 : vector<3x256xf32>
    %split3A = vector.extract_strided_slice %add3A_23 {offsets = [0, 0], sizes = [3, 64], strides = [1, 1]} : vector<3x256xf32> to vector<3x64xf32>
    %split3A_24 = vector.extract_strided_slice %add3A_23 {offsets = [0, 64], sizes = [3, 64], strides = [1, 1]} : vector<3x256xf32> to vector<3x64xf32>
    %split3A_25 = vector.extract_strided_slice %add3A_23 {offsets = [0, 128], sizes = [3, 64], strides = [1, 1]} : vector<3x256xf32> to vector<3x64xf32>
    %split3A_26 = vector.extract_strided_slice %add3A_23 {offsets = [0, 192], sizes = [3, 64], strides = [1, 1]} : vector<3x256xf32> to vector<3x64xf32>
    %logistic3A = arith.negf %split3A_24 : vector<3x64xf32>
    %logistic3A_27 = math.exp %logistic3A : vector<3x64xf32>
    %logistic3A_28 = arith.constant 1.000000e+00 : f32
    %logistic3A_29 = vector.broadcast %logistic3A_28 : f32 to vector<3x64xf32>
    %logistic3A_30 = arith.addf %logistic3A_29, %logistic3A_27 : vector<3x64xf32>
    %logistic3A_31 = arith.divf %logistic3A_29, %logistic3A_30 : vector<3x64xf32>
    %mul3A = arith.mulf %logistic3A_31, %broadcast_in_dim3A_2 : vector<3x64xf32>
    %logistic3A_32 = arith.negf %split3A : vector<3x64xf32>
    %logistic3A_33 = math.exp %logistic3A_32 : vector<3x64xf32>
    %logistic3A_34 = arith.constant 1.000000e+00 : f32
    %logistic3A_35 = vector.broadcast %logistic3A_34 : f32 to vector<3x64xf32>
    %logistic3A_36 = arith.addf %logistic3A_35, %logistic3A_33 : vector<3x64xf32>
    %logistic3A_37 = arith.divf %logistic3A_35, %logistic3A_36 : vector<3x64xf32>
    %tanh3A = math.tanh %split3A_25 : vector<3x64xf32>
    %mul3A_38 = arith.mulf %logistic3A_37, %tanh3A : vector<3x64xf32>
    %add3A_39 = arith.addf %mul3A, %mul3A_38 : vector<3x64xf32>
    %logistic3A_40 = arith.negf %split3A_26 : vector<3x64xf32>
    %logistic3A_41 = math.exp %logistic3A_40 : vector<3x64xf32>
    %logistic3A_42 = arith.constant 1.000000e+00 : f32
    %logistic3A_43 = vector.broadcast %logistic3A_42 : f32 to vector<3x64xf32>
    %logistic3A_44 = arith.addf %logistic3A_43, %logistic3A_41 : vector<3x64xf32>
    %logistic3A_45 = arith.divf %logistic3A_43, %logistic3A_44 : vector<3x64xf32>
    %tanh3A_46 = math.tanh %add3A_39 : vector<3x64xf32>
    %mul3A_47 = arith.mulf %logistic3A_45, %tanh3A_46 : vector<3x64xf32>
    %convert_element_type3A_48 = arith.truncf %mul3A_47 : vector<3x64xf32> to vector<3x64xbf16>
    %convert_element_type3A_49 = arith.extf %convert_element_type3A_48 : vector<3x64xbf16> to vector<3x64xf32>
    %dot_general3A_50 = arith.constant dense<0.000000e+00> : vector<3x256xf32>
    %dot_general3A_51 = tpu.matmul %convert_element_type3A_49, %convert_element_type3A_6, %dot_general3A_50 {dimension_numbers = #tpu.dot_dimension_numbers<[1], [0], [0], [1], [0, 0, 1, 1], [], []>, precision = #tpu.contract_precision<fp32>, transpose_lhs_hint = false} : vector<3x64xf32>, vector<64x256xf32>, vector<3x256xf32> -> vector<3x256xf32>
    %convert_element_type3A_52 = arith.truncf %mul3A_47 : vector<3x64xf32> to vector<3x64xbf16>
    %convert_element_type3A_53 = arith.extf %convert_element_type3A_52 : vector<3x64xbf16> to vector<3x64xf32>
    %dot_general3A_54 = arith.constant dense<0.000000e+00> : vector<3x256xf32>
    %dot_general3A_55 = tpu.matmul %convert_element_type3A_53, %convert_element_type3A_11, %dot_general3A_54 {dimension_numbers = #tpu.dot_dimension_numbers<[1], [0], [0], [1], [0, 0, 1, 1], [], []>, precision = #tpu.contract_precision<fp32>, transpose_lhs_hint = false} : vector<3x64xf32>, vector<64x256xf32>, vector<3x256xf32> -> vector<3x256xf32>
    %add3A_56 = arith.addf %dot_general3A_51, %dot_general3A_55 : vector<3x256xf32>
    %broadcast_in_dim3A_57 = vector.shape_cast %get3A_13 : vector<256xf32> to vector<1x256xf32>
    %add3A_58 = vector.broadcast %broadcast_in_dim3A_57 : vector<1x256xf32> to vector<3x256xf32>
    %add3A_59 = arith.addf %add3A_56, %add3A_58 : vector<3x256xf32>
    %split3A_60 = vector.extract_strided_slice %add3A_59 {offsets = [0, 0], sizes = [3, 64], strides = [1, 1]} : vector<3x256xf32> to vector<3x64xf32>
    %split3A_61 = vector.extract_strided_slice %add3A_59 {offsets = [0, 64], sizes = [3, 64], strides = [1, 1]} : vector<3x256xf32> to vector<3x64xf32>
    %split3A_62 = vector.extract_strided_slice %add3A_59 {offsets = [0, 128], sizes = [3, 64], strides = [1, 1]} : vector<3x256xf32> to vector<3x64xf32>
    %split3A_63 = vector.extract_strided_slice %add3A_59 {offsets = [0, 192], sizes = [3, 64], strides = [1, 1]} : vector<3x256xf32> to vector<3x64xf32>
    %logistic3A_64 = arith.negf %split3A_61 : vector<3x64xf32>
    %logistic3A_65 = math.exp %logistic3A_64 : vector<3x64xf32>
    %logistic3A_66 = arith.constant 1.000000e+00 : f32
    %logistic3A_67 = vector.broadcast %logistic3A_66 : f32 to vector<3x64xf32>
    %logistic3A_68 = arith.addf %logistic3A_67, %logistic3A_65 : vector<3x64xf32>
    %logistic3A_69 = arith.divf %logistic3A_67, %logistic3A_68 : vector<3x64xf32>
    %mul3A_70 = arith.mulf %logistic3A_69, %add3A_39 : vector<3x64xf32>
    %logistic3A_71 = arith.negf %split3A_60 : vector<3x64xf32>
    %logistic3A_72 = math.exp %logistic3A_71 : vector<3x64xf32>
    %logistic3A_73 = arith.constant 1.000000e+00 : f32
    %logistic3A_74 = vector.broadcast %logistic3A_73 : f32 to vector<3x64xf32>
    %logistic3A_75 = arith.addf %logistic3A_74, %logistic3A_72 : vector<3x64xf32>
    %logistic3A_76 = arith.divf %logistic3A_74, %logistic3A_75 : vector<3x64xf32>
    %tanh3A_77 = math.tanh %split3A_62 : vector<3x64xf32>
    %mul3A_78 = arith.mulf %logistic3A_76, %tanh3A_77 : vector<3x64xf32>
    %add3A_79 = arith.addf %mul3A_70, %mul3A_78 : vector<3x64xf32>
    %logistic3A_80 = arith.negf %split3A_63 : vector<3x64xf32>
    %logistic3A_81 = math.exp %logistic3A_80 : vector<3x64xf32>
    %logistic3A_82 = arith.constant 1.000000e+00 : f32
    %logistic3A_83 = vector.broadcast %logistic3A_82 : f32 to vector<3x64xf32>
    %logistic3A_84 = arith.addf %logistic3A_83, %logistic3A_81 : vector<3x64xf32>
    %logistic3A_85 = arith.divf %logistic3A_83, %logistic3A_84 : vector<3x64xf32>
    %tanh3A_86 = math.tanh %add3A_79 : vector<3x64xf32>
    %mul3A_87 = arith.mulf %logistic3A_85, %tanh3A_86 : vector<3x64xf32>
    %convert_element_type3A_88 = arith.truncf %mul3A_87 : vector<3x64xf32> to vector<3x64xbf16>
    %convert_element_type3A_89 = arith.extf %convert_element_type3A_88 : vector<3x64xbf16> to vector<3x64xf32>
    %dot_general3A_90 = arith.constant dense<0.000000e+00> : vector<3x256xf32>
    %dot_general3A_91 = tpu.matmul %convert_element_type3A_89, %convert_element_type3A_6, %dot_general3A_90 {dimension_numbers = #tpu.dot_dimension_numbers<[1], [0], [0], [1], [0, 0, 1, 1], [], []>, precision = #tpu.contract_precision<fp32>, transpose_lhs_hint = false} : vector<3x64xf32>, vector<64x256xf32>, vector<3x256xf32> -> vector<3x256xf32>
    %convert_element_type3A_92 = arith.truncf %mul3A_87 : vector<3x64xf32> to vector<3x64xbf16>
    %convert_element_type3A_93 = arith.extf %convert_element_type3A_92 : vector<3x64xbf16> to vector<3x64xf32>
    %dot_general3A_94 = arith.constant dense<0.000000e+00> : vector<3x256xf32>
    %dot_general3A_95 = tpu.matmul %convert_element_type3A_93, %convert_element_type3A_11, %dot_general3A_94 {dimension_numbers = #tpu.dot_dimension_numbers<[1], [0], [0], [1], [0, 0, 1, 1], [], []>, precision = #tpu.contract_precision<fp32>, transpose_lhs_hint = false} : vector<3x64xf32>, vector<64x256xf32>, vector<3x256xf32> -> vector<3x256xf32>
    %add3A_96 = arith.addf %dot_general3A_91, %dot_general3A_95 : vector<3x256xf32>
    %broadcast_in_dim3A_97 = vector.shape_cast %get3A_13 : vector<256xf32> to vector<1x256xf32>
    %add3A_98 = vector.broadcast %broadcast_in_dim3A_97 : vector<1x256xf32> to vector<3x256xf32>
    %add3A_99 = arith.addf %add3A_96, %add3A_98 : vector<3x256xf32>
    %split3A_100 = vector.extract_strided_slice %add3A_99 {offsets = [0, 0], sizes = [3, 64], strides = [1, 1]} : vector<3x256xf32> to vector<3x64xf32>
    %split3A_101 = vector.extract_strided_slice %add3A_99 {offsets = [0, 64], sizes = [3, 64], strides = [1, 1]} : vector<3x256xf32> to vector<3x64xf32>
    %split3A_102 = vector.extract_strided_slice %add3A_99 {offsets = [0, 128], sizes = [3, 64], strides = [1, 1]} : vector<3x256xf32> to vector<3x64xf32>
    %split3A_103 = vector.extract_strided_slice %add3A_99 {offsets = [0, 192], sizes = [3, 64], strides = [1, 1]} : vector<3x256xf32> to vector<3x64xf32>
    %logistic3A_104 = arith.negf %split3A_101 : vector<3x64xf32>
    %logistic3A_105 = math.exp %logistic3A_104 : vector<3x64xf32>
    %logistic3A_106 = arith.constant 1.000000e+00 : f32
    %logistic3A_107 = vector.broadcast %logistic3A_106 : f32 to vector<3x64xf32>
    %logistic3A_108 = arith.addf %logistic3A_107, %logistic3A_105 : vector<3x64xf32>
    %logistic3A_109 = arith.divf %logistic3A_107, %logistic3A_108 : vector<3x64xf32>
    %mul3A_110 = arith.mulf %logistic3A_109, %add3A_79 : vector<3x64xf32>
    %logistic3A_111 = arith.negf %split3A_100 : vector<3x64xf32>
    %logistic3A_112 = math.exp %logistic3A_111 : vector<3x64xf32>
    %logistic3A_113 = arith.constant 1.000000e+00 : f32
    %logistic3A_114 = vector.broadcast %logistic3A_113 : f32 to vector<3x64xf32>
    %logistic3A_115 = arith.addf %logistic3A_114, %logistic3A_112 : vector<3x64xf32>
    %logistic3A_116 = arith.divf %logistic3A_114, %logistic3A_115 : vector<3x64xf32>
    %tanh3A_117 = math.tanh %split3A_102 : vector<3x64xf32>
    %mul3A_118 = arith.mulf %logistic3A_116, %tanh3A_117 : vector<3x64xf32>
    %add3A_119 = arith.addf %mul3A_110, %mul3A_118 : vector<3x64xf32>
    %logistic3A_120 = arith.negf %split3A_103 : vector<3x64xf32>
    %logistic3A_121 = math.exp %logistic3A_120 : vector<3x64xf32>
    %logistic3A_122 = arith.constant 1.000000e+00 : f32
    %logistic3A_123 = vector.broadcast %logistic3A_122 : f32 to vector<3x64xf32>
    %logistic3A_124 = arith.addf %logistic3A_123, %logistic3A_121 : vector<3x64xf32>
    %logistic3A_125 = arith.divf %logistic3A_123, %logistic3A_124 : vector<3x64xf32>
    %tanh3A_126 = math.tanh %add3A_119 : vector<3x64xf32>
    %mul3A_127 = arith.mulf %logistic3A_125, %tanh3A_126 : vector<3x64xf32>
    %convert_element_type3A_128 = arith.truncf %mul3A_127 : vector<3x64xf32> to vector<3x64xbf16>
    %convert_element_type3A_129 = arith.extf %convert_element_type3A_128 : vector<3x64xbf16> to vector<3x64xf32>
    %dot_general3A_130 = arith.constant dense<0.000000e+00> : vector<3x256xf32>
    %dot_general3A_131 = tpu.matmul %convert_element_type3A_129, %convert_element_type3A_6, %dot_general3A_130 {dimension_numbers = #tpu.dot_dimension_numbers<[1], [0], [0], [1], [0, 0, 1, 1], [], []>, precision = #tpu.contract_precision<fp32>, transpose_lhs_hint = false} : vector<3x64xf32>, vector<64x256xf32>, vector<3x256xf32> -> vector<3x256xf32>
    %convert_element_type3A_132 = arith.truncf %mul3A_127 : vector<3x64xf32> to vector<3x64xbf16>
    %convert_element_type3A_133 = arith.extf %convert_element_type3A_132 : vector<3x64xbf16> to vector<3x64xf32>
    %dot_general3A_134 = arith.constant dense<0.000000e+00> : vector<3x256xf32>
    %dot_general3A_135 = tpu.matmul %convert_element_type3A_133, %convert_element_type3A_11, %dot_general3A_134 {dimension_numbers = #tpu.dot_dimension_numbers<[1], [0], [0], [1], [0, 0, 1, 1], [], []>, precision = #tpu.contract_precision<fp32>, transpose_lhs_hint = false} : vector<3x64xf32>, vector<64x256xf32>, vector<3x256xf32> -> vector<3x256xf32>
    %add3A_136 = arith.addf %dot_general3A_131, %dot_general3A_135 : vector<3x256xf32>
    %broadcast_in_dim3A_137 = vector.shape_cast %get3A_13 : vector<256xf32> to vector<1x256xf32>
    %add3A_138 = vector.broadcast %broadcast_in_dim3A_137 : vector<1x256xf32> to vector<3x256xf32>
    %add3A_139 = arith.addf %add3A_136, %add3A_138 : vector<3x256xf32>
    %split3A_140 = vector.extract_strided_slice %add3A_139 {offsets = [0, 0], sizes = [3, 64], strides = [1, 1]} : vector<3x256xf32> to vector<3x64xf32>
    %split3A_141 = vector.extract_strided_slice %add3A_139 {offsets = [0, 64], sizes = [3, 64], strides = [1, 1]} : vector<3x256xf32> to vector<3x64xf32>
    %split3A_142 = vector.extract_strided_slice %add3A_139 {offsets = [0, 128], sizes = [3, 64], strides = [1, 1]} : vector<3x256xf32> to vector<3x64xf32>
    %split3A_143 = vector.extract_strided_slice %add3A_139 {offsets = [0, 192], sizes = [3, 64], strides = [1, 1]} : vector<3x256xf32> to vector<3x64xf32>
    %logistic3A_144 = arith.negf %split3A_141 : vector<3x64xf32>
    %logistic3A_145 = math.exp %logistic3A_144 : vector<3x64xf32>
    %logistic3A_146 = arith.constant 1.000000e+00 : f32
    %logistic3A_147 = vector.broadcast %logistic3A_146 : f32 to vector<3x64xf32>
    %logistic3A_148 = arith.addf %logistic3A_147, %logistic3A_145 : vector<3x64xf32>
    %logistic3A_149 = arith.divf %logistic3A_147, %logistic3A_148 : vector<3x64xf32>
    %mul3A_150 = arith.mulf %logistic3A_149, %add3A_119 : vector<3x64xf32>
    %logistic3A_151 = arith.negf %split3A_140 : vector<3x64xf32>
    %logistic3A_152 = math.exp %logistic3A_151 : vector<3x64xf32>
    %logistic3A_153 = arith.constant 1.000000e+00 : f32
    %logistic3A_154 = vector.broadcast %logistic3A_153 : f32 to vector<3x64xf32>
    %logistic3A_155 = arith.addf %logistic3A_154, %logistic3A_152 : vector<3x64xf32>
    %logistic3A_156 = arith.divf %logistic3A_154, %logistic3A_155 : vector<3x64xf32>
    %tanh3A_157 = math.tanh %split3A_142 : vector<3x64xf32>
    %mul3A_158 = arith.mulf %logistic3A_156, %tanh3A_157 : vector<3x64xf32>
    %add3A_159 = arith.addf %mul3A_150, %mul3A_158 : vector<3x64xf32>
    %logistic3A_160 = arith.negf %split3A_143 : vector<3x64xf32>
    %logistic3A_161 = math.exp %logistic3A_160 : vector<3x64xf32>
    %logistic3A_162 = arith.constant 1.000000e+00 : f32
    %logistic3A_163 = vector.broadcast %logistic3A_162 : f32 to vector<3x64xf32>
    %logistic3A_164 = arith.addf %logistic3A_163, %logistic3A_161 : vector<3x64xf32>
    %logistic3A_165 = arith.divf %logistic3A_163, %logistic3A_164 : vector<3x64xf32>
    %tanh3A_166 = math.tanh %add3A_159 : vector<3x64xf32>
    %mul3A_167 = arith.mulf %logistic3A_165, %tanh3A_166 : vector<3x64xf32>
    %convert_element_type3A_168 = arith.truncf %mul3A_167 : vector<3x64xf32> to vector<3x64xbf16>
    %convert_element_type3A_169 = arith.extf %convert_element_type3A_168 : vector<3x64xbf16> to vector<3x64xf32>
    %dot_general3A_170 = arith.constant dense<0.000000e+00> : vector<3x256xf32>
    %dot_general3A_171 = tpu.matmul %convert_element_type3A_169, %convert_element_type3A_6, %dot_general3A_170 {dimension_numbers = #tpu.dot_dimension_numbers<[1], [0], [0], [1], [0, 0, 1, 1], [], []>, precision = #tpu.contract_precision<fp32>, transpose_lhs_hint = false} : vector<3x64xf32>, vector<64x256xf32>, vector<3x256xf32> -> vector<3x256xf32>
    %convert_element_type3A_172 = arith.truncf %mul3A_167 : vector<3x64xf32> to vector<3x64xbf16>
    %convert_element_type3A_173 = arith.extf %convert_element_type3A_172 : vector<3x64xbf16> to vector<3x64xf32>
    %dot_general3A_174 = arith.constant dense<0.000000e+00> : vector<3x256xf32>
    %dot_general3A_175 = tpu.matmul %convert_element_type3A_173, %convert_element_type3A_11, %dot_general3A_174 {dimension_numbers = #tpu.dot_dimension_numbers<[1], [0], [0], [1], [0, 0, 1, 1], [], []>, precision = #tpu.contract_precision<fp32>, transpose_lhs_hint = false} : vector<3x64xf32>, vector<64x256xf32>, vector<3x256xf32> -> vector<3x256xf32>
    %add3A_176 = arith.addf %dot_general3A_171, %dot_general3A_175 : vector<3x256xf32>
    %broadcast_in_dim3A_177 = vector.shape_cast %get3A_13 : vector<256xf32> to vector<1x256xf32>
    %add3A_178 = vector.broadcast %broadcast_in_dim3A_177 : vector<1x256xf32> to vector<3x256xf32>
    %add3A_179 = arith.addf %add3A_176, %add3A_178 : vector<3x256xf32>
    %split3A_180 = vector.extract_strided_slice %add3A_179 {offsets = [0, 0], sizes = [3, 64], strides = [1, 1]} : vector<3x256xf32> to vector<3x64xf32>
    %split3A_181 = vector.extract_strided_slice %add3A_179 {offsets = [0, 64], sizes = [3, 64], strides = [1, 1]} : vector<3x256xf32> to vector<3x64xf32>
    %split3A_182 = vector.extract_strided_slice %add3A_179 {offsets = [0, 128], sizes = [3, 64], strides = [1, 1]} : vector<3x256xf32> to vector<3x64xf32>
    %split3A_183 = vector.extract_strided_slice %add3A_179 {offsets = [0, 192], sizes = [3, 64], strides = [1, 1]} : vector<3x256xf32> to vector<3x64xf32>
    %logistic3A_184 = arith.negf %split3A_181 : vector<3x64xf32>
    %logistic3A_185 = math.exp %logistic3A_184 : vector<3x64xf32>
    %logistic3A_186 = arith.constant 1.000000e+00 : f32
    %logistic3A_187 = vector.broadcast %logistic3A_186 : f32 to vector<3x64xf32>
    %logistic3A_188 = arith.addf %logistic3A_187, %logistic3A_185 : vector<3x64xf32>
    %logistic3A_189 = arith.divf %logistic3A_187, %logistic3A_188 : vector<3x64xf32>
    %mul3A_190 = arith.mulf %logistic3A_189, %add3A_159 : vector<3x64xf32>
    %logistic3A_191 = arith.negf %split3A_180 : vector<3x64xf32>
    %logistic3A_192 = math.exp %logistic3A_191 : vector<3x64xf32>
    %logistic3A_193 = arith.constant 1.000000e+00 : f32
    %logistic3A_194 = vector.broadcast %logistic3A_193 : f32 to vector<3x64xf32>
    %logistic3A_195 = arith.addf %logistic3A_194, %logistic3A_192 : vector<3x64xf32>
    %logistic3A_196 = arith.divf %logistic3A_194, %logistic3A_195 : vector<3x64xf32>
    %tanh3A_197 = math.tanh %split3A_182 : vector<3x64xf32>
    %mul3A_198 = arith.mulf %logistic3A_196, %tanh3A_197 : vector<3x64xf32>
    %add3A_199 = arith.addf %mul3A_190, %mul3A_198 : vector<3x64xf32>
    %logistic3A_200 = arith.negf %split3A_183 : vector<3x64xf32>
    %logistic3A_201 = math.exp %logistic3A_200 : vector<3x64xf32>
    %logistic3A_202 = arith.constant 1.000000e+00 : f32
    %logistic3A_203 = vector.broadcast %logistic3A_202 : f32 to vector<3x64xf32>
    %logistic3A_204 = arith.addf %logistic3A_203, %logistic3A_201 : vector<3x64xf32>
    %logistic3A_205 = arith.divf %logistic3A_203, %logistic3A_204 : vector<3x64xf32>
    %tanh3A_206 = math.tanh %add3A_199 : vector<3x64xf32>
    %mul3A_207 = arith.mulf %logistic3A_205, %tanh3A_206 : vector<3x64xf32>
    %convert_element_type3A_208 = arith.truncf %mul3A_207 : vector<3x64xf32> to vector<3x64xbf16>
    %convert_element_type3A_209 = arith.extf %convert_element_type3A_208 : vector<3x64xbf16> to vector<3x64xf32>
    %dot_general3A_210 = arith.constant dense<0.000000e+00> : vector<3x256xf32>
    %dot_general3A_211 = tpu.matmul %convert_element_type3A_209, %convert_element_type3A_6, %dot_general3A_210 {dimension_numbers = #tpu.dot_dimension_numbers<[1], [0], [0], [1], [0, 0, 1, 1], [], []>, precision = #tpu.contract_precision<fp32>, transpose_lhs_hint = false} : vector<3x64xf32>, vector<64x256xf32>, vector<3x256xf32> -> vector<3x256xf32>
    %convert_element_type3A_212 = arith.truncf %mul3A_207 : vector<3x64xf32> to vector<3x64xbf16>
    %convert_element_type3A_213 = arith.extf %convert_element_type3A_212 : vector<3x64xbf16> to vector<3x64xf32>
    %dot_general3A_214 = arith.constant dense<0.000000e+00> : vector<3x256xf32>
    %dot_general3A_215 = tpu.matmul %convert_element_type3A_213, %convert_element_type3A_11, %dot_general3A_214 {dimension_numbers = #tpu.dot_dimension_numbers<[1], [0], [0], [1], [0, 0, 1, 1], [], []>, precision = #tpu.contract_precision<fp32>, transpose_lhs_hint = false} : vector<3x64xf32>, vector<64x256xf32>, vector<3x256xf32> -> vector<3x256xf32>
    %add3A_216 = arith.addf %dot_general3A_211, %dot_general3A_215 : vector<3x256xf32>
    %broadcast_in_dim3A_217 = vector.shape_cast %get3A_13 : vector<256xf32> to vector<1x256xf32>
    %add3A_218 = vector.broadcast %broadcast_in_dim3A_217 : vector<1x256xf32> to vector<3x256xf32>
    %add3A_219 = arith.addf %add3A_216, %add3A_218 : vector<3x256xf32>
    %split3A_220 = vector.extract_strided_slice %add3A_219 {offsets = [0, 0], sizes = [3, 64], strides = [1, 1]} : vector<3x256xf32> to vector<3x64xf32>
    %split3A_221 = vector.extract_strided_slice %add3A_219 {offsets = [0, 64], sizes = [3, 64], strides = [1, 1]} : vector<3x256xf32> to vector<3x64xf32>
    %split3A_222 = vector.extract_strided_slice %add3A_219 {offsets = [0, 128], sizes = [3, 64], strides = [1, 1]} : vector<3x256xf32> to vector<3x64xf32>
    %split3A_223 = vector.extract_strided_slice %add3A_219 {offsets = [0, 192], sizes = [3, 64], strides = [1, 1]} : vector<3x256xf32> to vector<3x64xf32>
    %logistic3A_224 = arith.negf %split3A_221 : vector<3x64xf32>
    %logistic3A_225 = math.exp %logistic3A_224 : vector<3x64xf32>
    %logistic3A_226 = arith.constant 1.000000e+00 : f32
    %logistic3A_227 = vector.broadcast %logistic3A_226 : f32 to vector<3x64xf32>
    %logistic3A_228 = arith.addf %logistic3A_227, %logistic3A_225 : vector<3x64xf32>
    %logistic3A_229 = arith.divf %logistic3A_227, %logistic3A_228 : vector<3x64xf32>
    %mul3A_230 = arith.mulf %logistic3A_229, %add3A_199 : vector<3x64xf32>
    %logistic3A_231 = arith.negf %split3A_220 : vector<3x64xf32>
    %logistic3A_232 = math.exp %logistic3A_231 : vector<3x64xf32>
    %logistic3A_233 = arith.constant 1.000000e+00 : f32
    %logistic3A_234 = vector.broadcast %logistic3A_233 : f32 to vector<3x64xf32>
    %logistic3A_235 = arith.addf %logistic3A_234, %logistic3A_232 : vector<3x64xf32>
    %logistic3A_236 = arith.divf %logistic3A_234, %logistic3A_235 : vector<3x64xf32>
    %tanh3A_237 = math.tanh %split3A_222 : vector<3x64xf32>
    %mul3A_238 = arith.mulf %logistic3A_236, %tanh3A_237 : vector<3x64xf32>
    %add3A_239 = arith.addf %mul3A_230, %mul3A_238 : vector<3x64xf32>
    %logistic3A_240 = arith.negf %split3A_223 : vector<3x64xf32>
    %logistic3A_241 = math.exp %logistic3A_240 : vector<3x64xf32>
    %logistic3A_242 = arith.constant 1.000000e+00 : f32
    %logistic3A_243 = vector.broadcast %logistic3A_242 : f32 to vector<3x64xf32>
    %logistic3A_244 = arith.addf %logistic3A_243, %logistic3A_241 : vector<3x64xf32>
    %logistic3A_245 = arith.divf %logistic3A_243, %logistic3A_244 : vector<3x64xf32>
    %tanh3A_246 = math.tanh %add3A_239 : vector<3x64xf32>
    %mul3A_247 = arith.mulf %logistic3A_245, %tanh3A_246 : vector<3x64xf32>
    %convert_element_type3A_248 = arith.truncf %mul3A_247 : vector<3x64xf32> to vector<3x64xbf16>
    %convert_element_type3A_249 = arith.extf %convert_element_type3A_248 : vector<3x64xbf16> to vector<3x64xf32>
    %dot_general3A_250 = arith.constant dense<0.000000e+00> : vector<3x256xf32>
    %dot_general3A_251 = tpu.matmul %convert_element_type3A_249, %convert_element_type3A_6, %dot_general3A_250 {dimension_numbers = #tpu.dot_dimension_numbers<[1], [0], [0], [1], [0, 0, 1, 1], [], []>, precision = #tpu.contract_precision<fp32>, transpose_lhs_hint = false} : vector<3x64xf32>, vector<64x256xf32>, vector<3x256xf32> -> vector<3x256xf32>
    %convert_element_type3A_252 = arith.truncf %mul3A_247 : vector<3x64xf32> to vector<3x64xbf16>
    %convert_element_type3A_253 = arith.extf %convert_element_type3A_252 : vector<3x64xbf16> to vector<3x64xf32>
    %dot_general3A_254 = arith.constant dense<0.000000e+00> : vector<3x256xf32>
    %dot_general3A_255 = tpu.matmul %convert_element_type3A_253, %convert_element_type3A_11, %dot_general3A_254 {dimension_numbers = #tpu.dot_dimension_numbers<[1], [0], [0], [1], [0, 0, 1, 1], [], []>, precision = #tpu.contract_precision<fp32>, transpose_lhs_hint = false} : vector<3x64xf32>, vector<64x256xf32>, vector<3x256xf32> -> vector<3x256xf32>
    %add3A_256 = arith.addf %dot_general3A_251, %dot_general3A_255 : vector<3x256xf32>
    %broadcast_in_dim3A_257 = vector.shape_cast %get3A_13 : vector<256xf32> to vector<1x256xf32>
    %add3A_258 = vector.broadcast %broadcast_in_dim3A_257 : vector<1x256xf32> to vector<3x256xf32>
    %add3A_259 = arith.addf %add3A_256, %add3A_258 : vector<3x256xf32>
    %split3A_260 = vector.extract_strided_slice %add3A_259 {offsets = [0, 0], sizes = [3, 64], strides = [1, 1]} : vector<3x256xf32> to vector<3x64xf32>
    %split3A_261 = vector.extract_strided_slice %add3A_259 {offsets = [0, 64], sizes = [3, 64], strides = [1, 1]} : vector<3x256xf32> to vector<3x64xf32>
    %split3A_262 = vector.extract_strided_slice %add3A_259 {offsets = [0, 128], sizes = [3, 64], strides = [1, 1]} : vector<3x256xf32> to vector<3x64xf32>
    %split3A_263 = vector.extract_strided_slice %add3A_259 {offsets = [0, 192], sizes = [3, 64], strides = [1, 1]} : vector<3x256xf32> to vector<3x64xf32>
    %logistic3A_264 = arith.negf %split3A_261 : vector<3x64xf32>
    %logistic3A_265 = math.exp %logistic3A_264 : vector<3x64xf32>
    %logistic3A_266 = arith.constant 1.000000e+00 : f32
    %logistic3A_267 = vector.broadcast %logistic3A_266 : f32 to vector<3x64xf32>
    %logistic3A_268 = arith.addf %logistic3A_267, %logistic3A_265 : vector<3x64xf32>
    %logistic3A_269 = arith.divf %logistic3A_267, %logistic3A_268 : vector<3x64xf32>
    %mul3A_270 = arith.mulf %logistic3A_269, %add3A_239 : vector<3x64xf32>
    %logistic3A_271 = arith.negf %split3A_260 : vector<3x64xf32>
    %logistic3A_272 = math.exp %logistic3A_271 : vector<3x64xf32>
    %logistic3A_273 = arith.constant 1.000000e+00 : f32
    %logistic3A_274 = vector.broadcast %logistic3A_273 : f32 to vector<3x64xf32>
    %logistic3A_275 = arith.addf %logistic3A_274, %logistic3A_272 : vector<3x64xf32>
    %logistic3A_276 = arith.divf %logistic3A_274, %logistic3A_275 : vector<3x64xf32>
    %tanh3A_277 = math.tanh %split3A_262 : vector<3x64xf32>
    %mul3A_278 = arith.mulf %logistic3A_276, %tanh3A_277 : vector<3x64xf32>
    %add3A_279 = arith.addf %mul3A_270, %mul3A_278 : vector<3x64xf32>
    %logistic3A_280 = arith.negf %split3A_263 : vector<3x64xf32>
    %logistic3A_281 = math.exp %logistic3A_280 : vector<3x64xf32>
    %logistic3A_282 = arith.constant 1.000000e+00 : f32
    %logistic3A_283 = vector.broadcast %logistic3A_282 : f32 to vector<3x64xf32>
    %logistic3A_284 = arith.addf %logistic3A_283, %logistic3A_281 : vector<3x64xf32>
    %logistic3A_285 = arith.divf %logistic3A_283, %logistic3A_284 : vector<3x64xf32>
    %tanh3A_286 = math.tanh %add3A_279 : vector<3x64xf32>
    %mul3A_287 = arith.mulf %logistic3A_285, %tanh3A_286 : vector<3x64xf32>
    %convert_element_type3A_288 = arith.truncf %mul3A_287 : vector<3x64xf32> to vector<3x64xbf16>
    %convert_element_type3A_289 = arith.extf %convert_element_type3A_288 : vector<3x64xbf16> to vector<3x64xf32>
    %dot_general3A_290 = arith.constant dense<0.000000e+00> : vector<3x256xf32>
    %dot_general3A_291 = tpu.matmul %convert_element_type3A_289, %convert_element_type3A_6, %dot_general3A_290 {dimension_numbers = #tpu.dot_dimension_numbers<[1], [0], [0], [1], [0, 0, 1, 1], [], []>, precision = #tpu.contract_precision<fp32>, transpose_lhs_hint = false} : vector<3x64xf32>, vector<64x256xf32>, vector<3x256xf32> -> vector<3x256xf32>
    %convert_element_type3A_292 = arith.truncf %mul3A_287 : vector<3x64xf32> to vector<3x64xbf16>
    %convert_element_type3A_293 = arith.extf %convert_element_type3A_292 : vector<3x64xbf16> to vector<3x64xf32>
    %dot_general3A_294 = arith.constant dense<0.000000e+00> : vector<3x256xf32>
    %dot_general3A_295 = tpu.matmul %convert_element_type3A_293, %convert_element_type3A_11, %dot_general3A_294 {dimension_numbers = #tpu.dot_dimension_numbers<[1], [0], [0], [1], [0, 0, 1, 1], [], []>, precision = #tpu.contract_precision<fp32>, transpose_lhs_hint = false} : vector<3x64xf32>, vector<64x256xf32>, vector<3x256xf32> -> vector<3x256xf32>
    %add3A_296 = arith.addf %dot_general3A_291, %dot_general3A_295 : vector<3x256xf32>
    %broadcast_in_dim3A_297 = vector.shape_cast %get3A_13 : vector<256xf32> to vector<1x256xf32>
    %add3A_298 = vector.broadcast %broadcast_in_dim3A_297 : vector<1x256xf32> to vector<3x256xf32>
    %add3A_299 = arith.addf %add3A_296, %add3A_298 : vector<3x256xf32>
    %split3A_300 = vector.extract_strided_slice %add3A_299 {offsets = [0, 0], sizes = [3, 64], strides = [1, 1]} : vector<3x256xf32> to vector<3x64xf32>
    %split3A_301 = vector.extract_strided_slice %add3A_299 {offsets = [0, 64], sizes = [3, 64], strides = [1, 1]} : vector<3x256xf32> to vector<3x64xf32>
    %split3A_302 = vector.extract_strided_slice %add3A_299 {offsets = [0, 128], sizes = [3, 64], strides = [1, 1]} : vector<3x256xf32> to vector<3x64xf32>
    %split3A_303 = vector.extract_strided_slice %add3A_299 {offsets = [0, 192], sizes = [3, 64], strides = [1, 1]} : vector<3x256xf32> to vector<3x64xf32>
    %logistic3A_304 = arith.negf %split3A_301 : vector<3x64xf32>
    %logistic3A_305 = math.exp %logistic3A_304 : vector<3x64xf32>
    %logistic3A_306 = arith.constant 1.000000e+00 : f32
    %logistic3A_307 = vector.broadcast %logistic3A_306 : f32 to vector<3x64xf32>
    %logistic3A_308 = arith.addf %logistic3A_307, %logistic3A_305 : vector<3x64xf32>
    %logistic3A_309 = arith.divf %logistic3A_307, %logistic3A_308 : vector<3x64xf32>
    %mul3A_310 = arith.mulf %logistic3A_309, %add3A_279 : vector<3x64xf32>
    %logistic3A_311 = arith.negf %split3A_300 : vector<3x64xf32>
    %logistic3A_312 = math.exp %logistic3A_311 : vector<3x64xf32>
    %logistic3A_313 = arith.constant 1.000000e+00 : f32
    %logistic3A_314 = vector.broadcast %logistic3A_313 : f32 to vector<3x64xf32>
    %logistic3A_315 = arith.addf %logistic3A_314, %logistic3A_312 : vector<3x64xf32>
    %logistic3A_316 = arith.divf %logistic3A_314, %logistic3A_315 : vector<3x64xf32>
    %tanh3A_317 = math.tanh %split3A_302 : vector<3x64xf32>
    %mul3A_318 = arith.mulf %logistic3A_316, %tanh3A_317 : vector<3x64xf32>
    %add3A_319 = arith.addf %mul3A_310, %mul3A_318 : vector<3x64xf32>
    %logistic3A_320 = arith.negf %split3A_303 : vector<3x64xf32>
    %logistic3A_321 = math.exp %logistic3A_320 : vector<3x64xf32>
    %logistic3A_322 = arith.constant 1.000000e+00 : f32
    %logistic3A_323 = vector.broadcast %logistic3A_322 : f32 to vector<3x64xf32>
    %logistic3A_324 = arith.addf %logistic3A_323, %logistic3A_321 : vector<3x64xf32>
    %logistic3A_325 = arith.divf %logistic3A_323, %logistic3A_324 : vector<3x64xf32>
    %tanh3A_326 = math.tanh %add3A_319 : vector<3x64xf32>
    %mul3A_327 = arith.mulf %logistic3A_325, %tanh3A_326 : vector<3x64xf32>
    %get3A_328 = arith.constant 0 : index
    %get3A_329 = arith.constant 0 : index
    %get3A_330 = arith.constant 0 : index
    %get3A_331 = vector.load %arg0[%get3A_328, %get3A_329, %get3A_330] : memref<16x784x128xf32, #tpu.memory_space<vmem>>, vector<16x784x128xf32>
    %reduce_sum3A = arith.constant dense<0.000000e+00> : vector<784x128xf32>
    %reduce_sum3A_332 = vector.multi_reduction <add>, %get3A_331, %reduce_sum3A [0] : vector<16x784x128xf32> to vector<784x128xf32>
    %add3A_333 = arith.constant 1.000000e+00 : f32
    %add3A_334 = vector.broadcast %add3A_333 : f32 to vector<784x128xf32>
    %add3A_335 = arith.addf %reduce_sum3A_332, %add3A_334 : vector<784x128xf32>
    %rsqrt3A = math.rsqrt %add3A_335 : vector<784x128xf32>
    %get3A_336 = arith.constant 0 : index
    %get3A_337 = arith.constant 0 : index
    %get3A_338 = arith.constant 0 : index
    %get3A_339 = vector.load %arg1[%get3A_336, %get3A_337, %get3A_338] : memref<32x784x128xf32, #tpu.memory_space<vmem>>, vector<32x784x128xf32>
    %reduce_sum3A_340 = arith.constant dense<0.000000e+00> : vector<784x128xf32>
    %reduce_sum3A_341 = vector.multi_reduction <add>, %get3A_339, %reduce_sum3A_340 [0] : vector<32x784x128xf32> to vector<784x128xf32>
    %mul3A_342 = arith.mulf %rsqrt3A, %reduce_sum3A_341 : vector<784x128xf32>
    %mul3A_343 = arith.mulf %rsqrt3A, %rsqrt3A : vector<784x128xf32>
    %add3A_344 = arith.addf %mul3A_342, %mul3A_343 : vector<784x128xf32>
    %get3A_345 = arith.constant 0 : index
    %get3A_346 = arith.constant 0 : index
    %get3A_347 = arith.constant 0 : index
    %get3A_348 = vector.load %arg2[%get3A_345, %get3A_346, %get3A_347] : memref<3x784x128xf32, #tpu.memory_space<vmem>>, vector<3x784x128xf32>
    %convert_element_type3A_349 = arith.truncf %get3A_348 : vector<3x784x128xf32> to vector<3x784x128xbf16>
    %convert_element_type3A_350 = arith.extf %convert_element_type3A_349 : vector<3x784x128xbf16> to vector<3x784x128xf32>
    %slice3A = vector.extract_strided_slice %convert_element_type3A_350 {offsets = [0, 0, 0], sizes = [1, 784, 128], strides = [1, 1, 1]} : vector<3x784x128xf32> to vector<1x784x128xf32>
    %squeeze3A = vector.shape_cast %slice3A : vector<1x784x128xf32> to vector<784x128xf32>
    %mul3A_351 = arith.mulf %add3A_344, %squeeze3A : vector<784x128xf32>
    %reduce_sum3A_352 = vector.shape_cast %mul3A_351 : vector<784x128xf32> to vector<1x784x128xf32>
    %reduce_sum3A_353 = arith.constant dense<0.000000e+00> : vector<1xf32>
    %reduce_sum3A_354 = vector.multi_reduction <add>, %reduce_sum3A_352, %reduce_sum3A_353 [1, 2] : vector<1x784x128xf32> to vector<1xf32>
    %reduce_sum3A_355 = vector.shape_cast %reduce_sum3A_354 : vector<1xf32> to vector<1x1x1xf32>
    %reduce_sum3A_356 = vector.extract %reduce_sum3A_355[0, 0, 0] : f32 from vector<1x1x1xf32>
    %slice3A_357 = vector.extract_strided_slice %convert_element_type3A_350 {offsets = [1, 0, 0], sizes = [1, 784, 128], strides = [1, 1, 1]} : vector<3x784x128xf32> to vector<1x784x128xf32>
    %squeeze3A_358 = vector.shape_cast %slice3A_357 : vector<1x784x128xf32> to vector<784x128xf32>
    %mul3A_359 = arith.mulf %add3A_344, %squeeze3A_358 : vector<784x128xf32>
    %reduce_sum3A_360 = vector.shape_cast %mul3A_359 : vector<784x128xf32> to vector<1x784x128xf32>
    %reduce_sum3A_361 = arith.constant dense<0.000000e+00> : vector<1xf32>
    %reduce_sum3A_362 = vector.multi_reduction <add>, %reduce_sum3A_360, %reduce_sum3A_361 [1, 2] : vector<1x784x128xf32> to vector<1xf32>
    %reduce_sum3A_363 = vector.shape_cast %reduce_sum3A_362 : vector<1xf32> to vector<1x1x1xf32>
    %reduce_sum3A_364 = vector.extract %reduce_sum3A_363[0, 0, 0] : f32 from vector<1x1x1xf32>
    %slice3A_365 = vector.extract_strided_slice %convert_element_type3A_350 {offsets = [2, 0, 0], sizes = [1, 784, 128], strides = [1, 1, 1]} : vector<3x784x128xf32> to vector<1x784x128xf32>
    %squeeze3A_366 = vector.shape_cast %slice3A_365 : vector<1x784x128xf32> to vector<784x128xf32>
    %mul3A_367 = arith.mulf %add3A_344, %squeeze3A_366 : vector<784x128xf32>
    %reduce_sum3A_368 = vector.shape_cast %mul3A_367 : vector<784x128xf32> to vector<1x784x128xf32>
    %reduce_sum3A_369 = arith.constant dense<0.000000e+00> : vector<1xf32>
    %reduce_sum3A_370 = vector.multi_reduction <add>, %reduce_sum3A_368, %reduce_sum3A_369 [1, 2] : vector<1x784x128xf32> to vector<1xf32>
    %reduce_sum3A_371 = vector.shape_cast %reduce_sum3A_370 : vector<1xf32> to vector<1x1x1xf32>
    %reduce_sum3A_372 = vector.extract %reduce_sum3A_371[0, 0, 0] : f32 from vector<1x1x1xf32>
    %convert_element_type3A_373 = arith.truncf %mul3A_327 : vector<3x64xf32> to vector<3x64xbf16>
    %convert_element_type3A_374 = arith.extf %convert_element_type3A_373 : vector<3x64xbf16> to vector<3x64xf32>
    %slice3A_375 = vector.extract_strided_slice %convert_element_type3A_374 {offsets = [0, 0], sizes = [1, 64], strides = [1, 1]} : vector<3x64xf32> to vector<1x64xf32>
    %squeeze3A_376 = vector.shape_cast %slice3A_375 : vector<1x64xf32> to vector<64xf32>
    %mul3A_377 = vector.broadcast %reduce_sum3A_356 : f32 to vector<64xf32>
    %mul3A_378 = arith.mulf %mul3A_377, %squeeze3A_376 : vector<64xf32>
    %slice3A_379 = vector.extract_strided_slice %convert_element_type3A_374 {offsets = [1, 0], sizes = [1, 64], strides = [1, 1]} : vector<3x64xf32> to vector<1x64xf32>
    %squeeze3A_380 = vector.shape_cast %slice3A_379 : vector<1x64xf32> to vector<64xf32>
    %mul3A_381 = vector.broadcast %reduce_sum3A_364 : f32 to vector<64xf32>
    %mul3A_382 = arith.mulf %mul3A_381, %squeeze3A_380 : vector<64xf32>
    %add3A_383 = arith.addf %mul3A_378, %mul3A_382 : vector<64xf32>
    %slice3A_384 = vector.extract_strided_slice %convert_element_type3A_374 {offsets = [2, 0], sizes = [1, 64], strides = [1, 1]} : vector<3x64xf32> to vector<1x64xf32>
    %squeeze3A_385 = vector.shape_cast %slice3A_384 : vector<1x64xf32> to vector<64xf32>
    %mul3A_386 = vector.broadcast %reduce_sum3A_372 : f32 to vector<64xf32>
    %mul3A_387 = arith.mulf %mul3A_386, %squeeze3A_385 : vector<64xf32>
    %add3A_388 = arith.addf %add3A_383, %mul3A_387 : vector<64xf32>
    %mul3A_389 = arith.constant 9.99999974E-6 : f32
    %mul3A_390 = vector.broadcast %mul3A_389 : f32 to vector<64xf32>
    %mul3A_391 = arith.mulf %add3A_388, %mul3A_390 : vector<64xf32>
    %broadcast_in_dim3A_392 = vector.shape_cast %mul3A_391 : vector<64xf32> to vector<1x64xf32>
    %convert_element_type3A_393 = arith.truncf %broadcast_in_dim3A_392 : vector<1x64xf32> to vector<1x64xbf16>
    %convert_element_type3A_394 = arith.extf %convert_element_type3A_393 : vector<1x64xbf16> to vector<1x64xf32>
    %get3A_395 = arith.constant 0 : index
    %get3A_396 = arith.constant 0 : index
    %get3A_397 = vector.load %arg7[%get3A_395, %get3A_396] : memref<64x32xf32, #tpu.memory_space<vmem>>, vector<64x32xf32>
    %convert_element_type3A_398 = arith.truncf %get3A_397 : vector<64x32xf32> to vector<64x32xbf16>
    %convert_element_type3A_399 = arith.extf %convert_element_type3A_398 : vector<64x32xbf16> to vector<64x32xf32>
    %dot_general3A_400 = arith.constant dense<0.000000e+00> : vector<1x32xf32>
    %dot_general3A_401 = tpu.matmul %convert_element_type3A_394, %convert_element_type3A_399, %dot_general3A_400 {dimension_numbers = #tpu.dot_dimension_numbers<[1], [0], [0], [1], [0, 0, 1, 1], [], []>, precision = #tpu.contract_precision<fp32>, transpose_lhs_hint = false} : vector<1x64xf32>, vector<64x32xf32>, vector<1x32xf32> -> vector<1x32xf32>
    %get3A_402 = arith.constant 0 : index
    %get3A_403 = vector.load %arg8[%get3A_402] : memref<32xf32, #tpu.memory_space<vmem>>, vector<32xf32>
    %broadcast_in_dim3A_404 = vector.shape_cast %get3A_403 : vector<32xf32> to vector<1x32xf32>
    %add3A_405 = arith.addf %dot_general3A_401, %broadcast_in_dim3A_404 : vector<1x32xf32>
    %max3A = arith.constant 0.000000e+00 : f32
    %max3A_406 = vector.broadcast %max3A : f32 to vector<1x32xf32>
    %max3A_407 = arith.maximumf %add3A_405, %max3A_406 : vector<1x32xf32>
    %convert_element_type3A_408 = arith.truncf %max3A_407 : vector<1x32xf32> to vector<1x32xbf16>
    %convert_element_type3A_409 = arith.extf %convert_element_type3A_408 : vector<1x32xbf16> to vector<1x32xf32>
    %get3A_410 = arith.constant 0 : index
    %get3A_411 = arith.constant 0 : index
    %get3A_412 = vector.load %arg9[%get3A_410, %get3A_411] : memref<32x2xf32, #tpu.memory_space<vmem>>, vector<32x2xf32>
    %convert_element_type3A_413 = arith.truncf %get3A_412 : vector<32x2xf32> to vector<32x2xbf16>
    %convert_element_type3A_414 = arith.extf %convert_element_type3A_413 : vector<32x2xbf16> to vector<32x2xf32>
    %dot_general3A_415 = arith.constant dense<0.000000e+00> : vector<1x2xf32>
    %dot_general3A_416 = tpu.matmul %convert_element_type3A_409, %convert_element_type3A_414, %dot_general3A_415 {dimension_numbers = #tpu.dot_dimension_numbers<[1], [0], [0], [1], [0, 0, 1, 1], [], []>, precision = #tpu.contract_precision<fp32>, transpose_lhs_hint = false} : vector<1x32xf32>, vector<32x2xf32>, vector<1x2xf32> -> vector<1x2xf32>
    %get3A_417 = arith.constant 0 : index
    %get3A_418 = vector.load %arg10[%get3A_417] : memref<2xf32, #tpu.memory_space<vmem>>, vector<2xf32>
    %broadcast_in_dim3A_419 = vector.shape_cast %get3A_418 : vector<2xf32> to vector<1x2xf32>
    %add3A_420 = arith.addf %dot_general3A_416, %broadcast_in_dim3A_419 : vector<1x2xf32>
    %swap3A = arith.constant 0 : index
    %swap3A_421 = arith.constant 0 : index
    %swap3A_422 = vector.load %arg11[%swap3A, %swap3A_421] : memref<1x2xf32, #tpu.memory_space<vmem>>, vector<1x2xf32>
    tpu.vector_store %arg11[%swap3A, %swap3A_421], %add3A_420 {strides = array<i32>} : memref<1x2xf32, #tpu.memory_space<vmem>>, vector<1x2xf32>,
    return
  }
}

</mosaic_0001>

<sc_bundles>
// kernel: kernel.4.cloned.1.call-start
scs
__scs_entry_jumppad:
0x0: {  	(pc) =	sbr.rel $0x88, $3  }
0x1: {  	(tag) =	ssettag $0x0;
	lr =	simm.s32 $0x1  }
0x2: {  	[smem:$0x3F97] =	sst lr;
	_ =	strace $0xD0000000  }
0x3: {  	_ = 	snop  }
0x4: {  	_ = 	snop  }
0x5: {  	_ = 	snop  }
0x6: {  	_ = 	snop  }
0x7: {  	_ = 	snop  }
__scs_overlays_trampoline_lowered:
0x8: {  	[smem:$0x3FA6] =	sst s0  }
0x9: {  	[smem:$0x3FA7] =	sst s1  }
0xa: {  	[smem:$0x3FA8] =	sst s2  }
0xb: {  	[smem:$0x3FA9] =	sst s3  }
0xc: {  	[smem:$0x3FAA] =	sst s4  }
0xd: {  	[smem:$0x3FAB] =	sst s5  }
0xe: {  	[smem:$0x3FAC] =	sst s6  }
0xf: {  	[smem:$0x3FAD] =	sst s7  }
0x10: {  	[smem:$0x3FAE] =	sst s8  }
0x11: {  	[smem:$0x3FAF] =	sst s9;
	s0 =	simm.s32 @!p0 $0x0  }
0x12: {  	s1 =	sld [smem:$0x3F95];
	s0 =	simm.s32 @p0 $0x1  }
0x13: {  	[smem:$0x3FB0] =	sst s0;
	s0 =	simm.s32 @!p1 $0x0  }
0x14: {  	s2 =	sld [smem:$0x3F94];
	s0 =	simm.s32 @p1 $0x1  }
0x15: {  	[smem:$0x3FB1] =	sst s0;
	s0 =	simm.s32 @!p2 $0x0  }
0x16: {  	s3 =	sld [smem:$0x3FDB];
	s0 =	simm.s32 @p2 $0x1  }
0x17: {  	s4 =	simm.s32 $0x1BF5;
	[smem:$0x3FB3] =	sst s0  }
0x18: {  	s0 =	sld [smem:$0x3F96];
	_ =	swait.ge [sflag:s4], $0x0  }
0x19: {  	s7 =	sld [smem:$0x3F97]  }
0x1a: {  	s8 =	sadd.s32 $0xFFFFE003, lr  }
0x1b: {  	s9 =	sadd.s32 $0xFFFFFEF7, lr;
	s5 =	simm.s32 $0xFFFFFFFF;
	p2 =	slt.u32 s8, $0xFFFFF086  }
0x1c: {  	p1 =	slt.u32 s9, $0xF7A;
	s5 =	simm.s32 @!p2 $0x0  }
0x1d: {  	s5 =	simm.s32 @p1 $0x1;
	p0 =	seq.s32 s7, s2  }
0x1e: {  	s7 =	smul.u32 @!p0 $0xF7A, s2;
	p2 =	seq.s32 @!p0 s5, $0x0  }
0x1f: {  	s9 =	smul.u32 $0xF7A, s1;
	s8 =	simm.s32 @!p0 $0x1BF5;
	p2 =	por !p2, p0  }
0x20: {  	[sflag:s8] =	ssyncset.s32 @!p0 $0xFFFFF086;
	s6 =	sadd.s32 @!p0 s3, s7;
	s7 =	simm.s32 @!p0 $0x108  }
0x21: {  	s3 =	sadd.s32 s3, s9;
	s6 =	sadd.s32 @!p0 $0x88, s6;
	s7 =	simm.s32 @p2 $0x1082  }
0x22: {  	[simem:s7], [sflag:s8] =	dma.local @!p0 [hbm:s6], $0xF7A  }
0x23: {  	s9 =	sor.u32 $0xD0000000, s2;
	s6 =	simm.s32 $0x108;
	_ =	swait.ge @!p0 [sflag:s8], $0x0  }
0x24: {  	s3 =	sadd.s32 $0x88, s3;
	s6 =	simm.s32 @!p1 $0x1082;
	[sflag:s4] =	ssyncset.s32 $0xFFFFF086  }
0x25: {  	[simem:s6], [sflag:s4] =	dma.local [hbm:s3], $0xF7A  }
0x26: {  	[smem:$0x3F97] =	sst s1;
	(tag) =	ssettag s2;
	_ =	strace s9  }
0x27: {  	s1 =	sld [smem:$0x3FA7]  }
0x28: {  	s2 =	sld [smem:$0x3FA8]  }
0x29: {  	s4 =	sld [smem:$0x3FAA]  }
0x2a: {  	p0 =	seq.s32 s5, $0x0;
	s5 =	sld [smem:$0x3FAB]  }
0x2b: {  	s6 =	sld [smem:$0x3FAC]  }
0x2c: {  	s7 =	sld [smem:$0x3FAD]  }
0x2d: {  	s3 =	simm.s32 $0x108;
	s8 =	sld [smem:$0x3FAE]  }
0x2e: {  	s3 =	simm.s32 @!p0 $0x1082;
	s9 =	sld [smem:$0x3FAF]  }
0x2f: {  	lr =	sadd.s32 s0, s3;
	s0 =	sld [smem:$0x3FA6]  }
0x30: {  	s3 =	sld [smem:$0x3FA9]  }
0x31: {  	[smem:$0x3FB2] =	sst s10  }
0x32: {  	s10 =	sld [smem:$0x3FB0];
	_ =	sdelay $0x3  }
0x33: {  	p0 =	seq.s32 s10, $0x1;
	s10 =	sld [smem:$0x3FB2];
	_ =	sdelay $0x3  }
0x34: {  	[smem:$0x3FB2] =	sst s10  }
0x35: {  	s10 =	sld [smem:$0x3FB1];
	_ =	sdelay $0x3  }
0x36: {  	p1 =	seq.s32 s10, $0x1;
	s10 =	sld [smem:$0x3FB2];
	_ =	sdelay $0x3  }
0x37: {  	[smem:$0x3FB2] =	sst s10  }
0x38: {  	s10 =	sld [smem:$0x3FB3]  }
0x39: {  	_ = 	snop;
	(pc) =	sbr.ind lr, $3  }
0x3a: {  	_ = 	snop  }
0x3b: {  	_ = 	snop  }
0x3c: {  	p2 =	seq.s32 s10, $0x1;
	s10 =	sld [smem:$0x3FB2]  }
0x3d: {  	_ =	shalt  }
0x3e: {  	_ =	shalt  }
0x3f: {  	_ =	shalt  }
0x40: {  	_ =	shalt  }
0x41: {  	_ =	shalt  }
0x42: {  	_ =	shalt  }
0x43: {  	_ =	shalt  }
0x44: {  	_ =	shalt  }
0x45: {  	_ =	shalt  }
0x46: {  	_ =	shalt  }
0x47: {  	_ =	shalt  }
0x48: {  	_ =	shalt  }
0x49: {  	_ =	shalt  }
0x4a: {  	_ =	shalt  }
0x4b: {  	_ =	shalt  }
0x4c: {  	_ =	shalt  }
0x4d: {  	_ =	shalt  }
0x4e: {  	_ =	shalt  }
0x4f: {  	_ =	shalt  }
0x50: {  	_ =	shalt  }
0x51: {  	_ =	shalt  }
0x52: {  	_ =	shalt  }
0x53: {  	_ =	shalt  }
0x54: {  	_ =	shalt  }
0x55: {  	_ =	shalt  }
0x56: {  	_ =	shalt  }
0x57: {  	_ =	shalt  }
0x58: {  	_ =	shalt  }
0x59: {  	_ =	shalt  }
0x5a: {  	_ =	shalt  }
0x5b: {  	_ =	shalt  }
0x5c: {  	_ =	shalt  }
0x5d: {  	_ =	shalt  }
0x5e: {  	_ =	shalt  }
0x5f: {  	_ =	shalt  }
0x60: {  	_ =	shalt  }
0x61: {  	_ =	shalt  }
0x62: {  	_ =	shalt  }
0x63: {  	_ =	shalt  }
0x64: {  	_ =	shalt  }
0x65: {  	_ =	shalt  }
0x66: {  	_ =	shalt  }
0x67: {  	_ =	shalt  }
0x68: {  	_ =	shalt  }
0x69: {  	_ =	shalt  }
0x6a: {  	_ =	shalt  }
0x6b: {  	_ =	shalt  }
0x6c: {  	_ =	shalt  }
0x6d: {  	_ =	shalt  }
0x6e: {  	_ =	shalt  }
0x6f: {  	_ =	shalt  }
0x70: {  	_ =	shalt  }
0x71: {  	_ =	shalt  }
0x72: {  	_ =	shalt  }
0x73: {  	_ =	shalt  }
0x74: {  	_ =	shalt  }
0x75: {  	_ =	shalt  }
0x76: {  	_ =	shalt  }
0x77: {  	_ =	shalt  }
0x78: {  	_ =	shalt  }
0x79: {  	_ =	shalt  }
0x7a: {  	_ =	shalt  }
0x7b: {  	_ =	shalt  }
0x7c: {  	_ =	shalt  }
0x7d: {  	_ =	shalt  }
0x7e: {  	_ =	shalt  }
0x7f: {  	_ =	shalt  }
0x80: {  	_ =	shalt  }
0x81: {  	_ =	shalt  }
0x82: {  	_ =	shalt  }
0x83: {  	_ =	shalt  }
0x84: {  	_ =	shalt  }
0x85: {  	_ =	shalt  }
0x86: {  	_ =	shalt  }
0x87: {  	_ =	shalt  }
.Lfunc_end0:
.L_simem_size_0:
called_computation_lowered:
.L_overlay_start_0:
0x88: {  	s2 =	sld [smem:$0x3FD9]  }
0x89: {  	s3 =	sld [smem:$0x3FFE];
	_ =	sdelay $0x1  }
0x8a: {  	s1 =	srdreg.scid  }
0x8b: {  	s0 =	sand.u32 $0x1, s1  }
0x8c: {  	s16 =	sshll.u32 s0, $0xA;
	s2 =	sadd.s32 s3, s2  }
0x8d: {  	s2 =	sadd.s32 s2, s16  }
0x8e: {  	[smem:$0x3FBE] =	sst s2  }
0x8f: {  	_ = 	snop  }
0x90: {  	(tm) =	ssettm $0x1  }
0x91: {  	s17 =	sld [smem:$0x3FFB];
	_ =	sdelay $0x3  }
0x92: {  	_ =	strace s17  }
0x93: {  	s2 =	sld [smem:$0x3FFC];
	_ =	sdelay $0x3  }
0x94: {  	_ =	strace s2  }
0x95: {  	s2 =	sld [smem:$0x3FFD];
	_ =	sdelay $0x3  }
0x96: {  	_ =	strace s2  }
0x97: {  	_ =	strace $0x8FFFFFFF  }
0x98: {  	s18 =	sld [smem:$0x3FDB];
	_ =	sdelay $0x1  }
0x99: {  	s19 =	simm.s32 $_scs_section_size  }
0x9a: {  	s4 =	simm.s32 $_size__tile_overlayer_lowered;
	s5 =	simm.s32 $_tile_overlayer_lowered  }
0x9b: {  	s22 =	simm.s32 $0x1BFF;
	s21 =	sshll.u32 s5, $0x1;
	s2 =	sadd.s32 s19, s18  }
0x9c: {  	s6 =	simm.s32 $0x0;
	s20 =	sshll.u32 s4, $0x1;
	s4 =	sadd.s32 s21, s2  }
0x9d: {  	[timem:s6], [sflag:s22] =	dma.local [hbm:s4], s20  }
0x9e: {  	_ =	swait.ge [sflag:s22], s20  }
0x9f: {  	s3 =	ssub.s32 $0x0, s20;
	[sflag:s22] =	ssyncset.done $0x0  }
0xa0: {  	[sflag:s22] =	ssyncadd.s32 s3;
	_ =	sdelay $0x1  }
0xa1: {  	s23 =	simm.s32 $0x1B8B  }
0xa2: {  	_ =	swait.ge [sflag:s23], $0x1  }
0xa3: {  	[sflag:s23] =	ssyncset.done $0x0  }
0xa4: {  	s25 =	simm.s32 $0x1B8E;
	s24 =	sld [smem:$0x3FFE];
	[sflag:s23] =	ssyncadd.s32 $0xFFFFFFFF  }
0xa5: {  	s26 =	simm.s32 $execute0_lowered;
	[smem:$0x3FD2] =	sst s25  }
0xa6: {  	s4 =	sshll.u32 s26, $0x1;
	_ =	strace $0x80000046;
	[dreg:$0x1] =	wrdreg $0xFFFFFFFF  }
0xa7: {  	s28 =	simm.s32 $_size_execute0_lowered;
	s2 =	sadd.s32 s2, s4;
	[dreg:$0x0] =	wrdreg $0x0  }
0xa8: {  	s4 =	sshll.u32 s28, $0x1;
	[dreg:$0x2] =	wrdreg s2  }
0xa9: {  	[dreg:$0x3] =	wrdreg s4  }
0xaa: {  	[dreg:$0x4] =	wrdreg $0xC0  }
0xab: {  	_ =	task [dreg:s6], $0x5FFFF  }
0xac: {  	[dreg:$0x1] =	wrdreg $0xFFFFFFFF  }
0xad: {  	[dreg:$0x0] =	wrdreg $0x60  }
0xae: {  	[dreg:$0x2] =	wrdreg s24  }
0xaf: {  	[dreg:$0x3] =	wrdreg $0x1D7000  }
0xb0: {  	[dreg:$0x4] =	wrdreg $0x9  }
0xb1: {  	_ =	task.clear_ibuf [dreg:s6], $0x5FFFF;
	_ =	strace $0x90000046  }
0xb2: {  	s29 =	simm.s32 $0x9;
	_ =	strace $0x80000048  }
0xb3: {  	_ =	swait.ge [sflag:s29], $0x1  }
0xb4: {  	[sflag:s29] =	ssyncadd.s32 $0xFFFFFFFF  }
0xb5: {  	_ =	strace $0x90000048  }
0xb6: {  	_ =	sfence  }
0xb7: {  	s30 =	sld [smem:$0x0];
	_ =	sdelay $0x2  }
0xb8: {  	s31 =	sshll.u32 s1, $0xD;
	s1 =	sshrl.u32 s1, $0x2  }
0xb9: {  	s3 =	sand.u32 $0x4000, s31;
	s1 =	sadd.s32 s1, s30  }
0xba: {  	s0 =	sor.u32 s3, s0;
	s1 =	sshll.u32 s1, $0x11  }
0xbb: {  	s0 =	sor.u32 s1, s0  }
0xbc: {  	s0 =	sadd.s32 $0x8F2B, s0  }
0xbd: {  	[sflag:s0] =	ssyncadd.remote.s32 $0x1  }
0xbe: {  	_ =	sfence.sel $0xFFFF  }
0xbf: {  	[dreg:$0x0] =	wrdreg $0xFFFFFFFF;
	(pc) =	sbr.abs _section_cstart, $3  }
0xc0: {  	[dreg:$0x1] =	wrdreg $0xFFFFFFFF  }
0xc1: {  	_ =	task.clear_ibuf [dreg:s6], $0x2FFFF;
	_ =	strace $0x9FFFFFFF  }
0xc2: {  	(tm) =	ssettm $0x7FFFFFFF  }
0xc3: {  	_ =	shalt  }
tec
execute0_lowered:
.L_overlay_start_1:
0x0: {  	(tag) =	ssettag $0x1  }
0x1: {  	s0 =	srdreg.scid;
	s1 =	rddreg [dreg:$0x0]  }
0x2: {  	s28 =	stileid.u32;
	s2 =	rddreg [dreg:$0x1]  }
0x3: {  	s3 =	simm.s32 $0x0;
	s29 =	simm.s32 $0x18800;
	s30 =	simm.s32 $0x1  }
0x4: {  	s31 =	simm.s32 $0x80;
	s0 =	sand.u32 $0x1, s0;
	s5 =	sshrl.u32 s28, $0x3  }
0x5: {  	[smem:$0x7FF] =	sst s3;
	s6 =	sshll.u32 s28, $0x7;
	s8 =	smul.u32 $0xC400, s28  }
0x6: {  	s9 =	sadd.s32 $0x62C00, s1;
	s12 =	sadd.s32 $0x62C10, s1;
	s13 =	sadd.s32 $0x62C20, s1  }
0x7: {  	s14 =	sadd.s32 $0x62C30, s1;
	s15 =	sadd.s32 $0x62C40, s1;
	s25 =	smul.u32 $0x6200, s28  }
0x8: {  	s16 =	sadd.s32 $0x62C50, s1;
	s17 =	sadd.s32 $0x62C60, s1;
	s4 =	smul.u32 $0x188000, s0  }
0x9: {  	s18 =	sadd.s32 $0x62C70, s1;
	s24 =	sshll.u32 s28, $0x1;
	s5 =	smul.u32 $0xC4000, s5  }
0xa: {  	s28 =	smul.u32 $0x186A0, s28;
	_ =	strace $0x80000047;
	s6 =	sand.u32 $0x380, s6  }
0xb: {  	s7 =	ssub.s32 $0x2, s0;
	s5 =	sadd.s32 s4, s5;
	s4 =	sadd.s32 s8, s4  }
0xc: {  	s0 =	sor.u32 s0, s24;
	s11 =	sshrl.u32 s7, $0x1;
	s4 =	sshrl.u32 s4, $0x3  }
0xd: {  	s26 =	sshrl.u32 s25, $0x2;
	s24 =	smul.u32 $0xC350, s0;
	s10 =	sadd.s32 s9, s4  }
0xe: {  	s0 =	simm.s32 $0x2710;
	s19 =	sadd.s32 s4, s12;
	[dreg:$0x3] =	wrdreg s10  }
0xf: {  	s5 =	sor.u32 s6, s5;
	s20 =	sadd.s32 s4, s13;
	[dreg:$0x4] =	wrdreg s19  }
0x10: {  	s6 =	ssub.s32 s7, s11;
	s21 =	sadd.s32 s4, s14;
	[dreg:$0x5] =	wrdreg s20  }
0x11: {  	s5 =	sshrl.u32 s5, $0x3;
	s22 =	sadd.s32 s4, s15;
	[dreg:$0x6] =	wrdreg s21  }
0x12: {  	s23 =	sadd.s32 s4, s16;
	s11 =	sadd.s32 s4, s18;
	[dreg:$0x7] =	wrdreg s22  }
0x13: {  	[dreg:$0x8] =	wrdreg s23;
	s19 =	sadd.s32 $0x18800, s4;
	s10 =	sadd.s32 s4, s17  }
0x14: {  	s20 =	sadd.s32 s9, s5;
	s5 =	sadd.s32 s5, s1;
	s21 =	sadd.s32 $0x31E00, s1  }
0x15: {  	s22 =	sadd.s32 $0x1000, s1;
	s23 =	sadd.s32 s26, s2;
	s26 =	smax.u32 s6, $0x1  }
0x16: {  	s1 =	simm.s32 $0x400;
	s4 =	simm.s32 $0x1AF80;
	s12 =	sadd.s32 s19, s12  }
0x17: {  	s13 =	sadd.s32 s19, s13;
	s14 =	sadd.s32 s19, s14;
	s15 =	sadd.s32 s19, s15  }
0x18: {  	s16 =	sadd.s32 s19, s16;
	s17 =	sadd.s32 s19, s17;
	s18 =	sadd.s32 s19, s18  }
0x19: {  	v0 =	vimm.f32 $0.0e+00;
	v1 =	vimm.f32 $1.000000000e+00;
	s19 =	sadd.s32 s9, s19;
	s25 =	sadd.s32 $0xC4C00, s5;
	s5 =	simm.s32 $0x0  }
.LBB2_1:
0x1a: {  	s6 =	simm.s32 $0x40;
	s7 =	simm.s32 $0x0  }
.LBB2_2:
0x1b: {  	p0 =	sne.s32 s6, $0x61FC0;
	[tilespmem:s7+$0x0] =	vst v0;
	s7 =	smov.u32 s6;
	s6 =	sadd.s32 $0x40, s6  }
.Ltmp0:
0x1c: {  	(pc) =	sbr.rel @p0 .LBB2_2-.Ltmp0, $2  }
0x1d: {  	_ =	sdelay $0x2  }
0x1e: {  	s7 =	sshra.s32 s7, $0x2  }
0x1f: {  	[tilespmem:s7+$0x0] =	vst v0;
	s6 =	simm.s32 $0x0;
	s7 =	simm.s32 $0x0  }
.LBB2_4:
0x20: {  	s8 =	smul.u32 $0x2710, s7;
	_ =	sdelay $0x1  }
0x21: {  	s8 =	sadd.s32 s28, s8  }
0x22: {  	s8 =	sshrl.u32 s8, $0x3  }
0x23: {  	s8 =	sadd.s32 s22, s8  }
0x24: {  	[tilespmem:s29], [sflag:$0x1] =	stream.linear.gather [hbm4b:s8+s6], $0x2710, $0x38;
	[tilespmem:$0x1EF80] =	vst v63  }
0x25: {  	_ =	swait.ge [sflag:s30], $0x2710  }
0x26: {  	[sflag:s30] =	ssyncset.done $0x0  }
0x27: {  	s9 =	simm.s32 $0x0;
	s8 =	simm.s32 $0x40;
	[sflag:s30] =	ssyncadd.s32 $0xFFFFD8F0  }
.LBB2_5:
0x28: {  	p0 =	sne.s32 s8, $0x9C00;
	v2 =	vld [tilespmem:s9+$0x18800];
	_ =	sdelay $0x3  }
.Ltmp1:
0x29: {  	(pc) =	sbr.rel @p0 .LBB2_5-.Ltmp1, $2  }
0x2a: {  	_ =	sdelay $0x2  }
0x2b: {  	s9 =	sshra.s32 s8, $0x2;
	s8 =	sadd.s32 $0x40, s8;
	[tilespmem:v2+s3+$0x0] =	vst.idx.add.f32.msk $0xffff, v1  }
0x2c: {  	v2 =	vld [tilespmem:s9+$0x18800];
	_ =	sdelay $0x1  }
0x2d: {  	s7 =	sadd.s32 $0x1, s7  }
0x2e: {  	p0 =	sne.s32 s7, $0xA  }
.Ltmp2:
0x2f: {  	_ = 	snop;
	(pc) =	sbr.rel @p0 .LBB2_4-.Ltmp2, $2  }
0x30: {  	_ =	sdelay $0x2  }
0x31: {  	[tilespmem:v2+s3+$0x0] =	vst.idx.add.f32.msk $0xffff, v1  }
0x32: {  	s6 =	simm.s32 $0x0  }
0x33: {  	[hbm4b:s20+s31] =	stream.strided.scatter [tilespmem:s6], [sflag:$0x1], $0x18800, s1, s31, $0x38;
	[tilespmem:$0x1EF80] =	vst v63  }
0x34: {  	_ =	swait.ge [sflag:s30], $0x18800  }
0x35: {  	[sflag:s30] =	ssyncset.done $0x0  }
0x36: {  	[sflag:s30] =	ssyncadd.s32 $0xFFFE7800  }
0x37: {  	[bflag:$0x0] =	sbarrier.arrive $0xFFFF  }
0x38: {  	s7 =	rddreg [dreg:$0x3]  }
0x39: {  	[tilespmem:s6], [sflag:$0x1] =	stream.strided.gather [hbm4b:s7+s31], $0x1880, s1, s31, $0x38;
	[tilespmem:$0x1EF80] =	vst v63  }
0x3a: {  	_ =	swait.ge [sflag:s30], $0x1880  }
0x3b: {  	[sflag:s30] =	ssyncset.done $0x0  }
0x3c: {  	s8 =	simm.s32 $0x1880;
	s9 =	rddreg [dreg:$0x4];
	[sflag:s30] =	ssyncadd.s32 $0xFFFFE780  }
0x3d: {  	[tilespmem:s8], [sflag:$0x1] =	stream.strided.gather [hbm4b:s9+s31], $0x1880, s1, s31, $0x38;
	[tilespmem:$0x1EF80] =	vst v63  }
0x3e: {  	_ =	swait.ge [sflag:s30], $0x1880  }
0x3f: {  	[sflag:s30] =	ssyncset.done $0x0  }
0x40: {  	s9 =	simm.s32 $0x3100;
	s8 =	rddreg [dreg:$0x5];
	[sflag:s30] =	ssyncadd.s32 $0xFFFFE780  }
0x41: {  	[tilespmem:s9], [sflag:$0x1] =	stream.strided.gather [hbm4b:s8+s31], $0x1880, s1, s31, $0x38;
	[tilespmem:$0x1EF80] =	vst v63  }
0x42: {  	_ =	swait.ge [sflag:s30], $0x1880  }
0x43: {  	[sflag:s30] =	ssyncset.done $0x0  }
0x44: {  	s9 =	simm.s32 $0x4980;
	s8 =	rddreg [dreg:$0x6];
	[sflag:s30] =	ssyncadd.s32 $0xFFFFE780  }
0x45: {  	[tilespmem:s9], [sflag:$0x1] =	stream.strided.gather [hbm4b:s8+s31], $0x1880, s1, s31, $0x38;
	[tilespmem:$0x1EF80] =	vst v63  }
0x46: {  	_ =	swait.ge [sflag:s30], $0x1880  }
0x47: {  	[sflag:s30] =	ssyncset.done $0x0  }
0x48: {  	s9 =	simm.s32 $0x6200;
	s8 =	rddreg [dreg:$0x7];
	[sflag:s30] =	ssyncadd.s32 $0xFFFFE780  }
0x49: {  	[tilespmem:s9], [sflag:$0x1] =	stream.strided.gather [hbm4b:s8+s31], $0x1880, s1, s31, $0x38;
	[tilespmem:$0x1EF80] =	vst v63  }
0x4a: {  	_ =	swait.ge [sflag:s30], $0x1880  }
0x4b: {  	[sflag:s30] =	ssyncset.done $0x0  }
0x4c: {  	s9 =	simm.s32 $0x7A80;
	s8 =	rddreg [dreg:$0x8];
	[sflag:s30] =	ssyncadd.s32 $0xFFFFE780  }
0x4d: {  	[tilespmem:s9], [sflag:$0x1] =	stream.strided.gather [hbm4b:s8+s31], $0x1880, s1, s31, $0x38;
	[tilespmem:$0x1EF80] =	vst v63  }
0x4e: {  	_ =	swait.ge [sflag:s30], $0x1880  }
0x4f: {  	[sflag:s30] =	ssyncset.done $0x0  }
0x50: {  	s8 =	simm.s32 $0x9300;
	[sflag:s30] =	ssyncadd.s32 $0xFFFFE780  }
0x51: {  	[tilespmem:s8], [sflag:$0x1] =	stream.strided.gather [hbm4b:s10+s31], $0x1880, s1, s31, $0x38;
	[tilespmem:$0x1EF80] =	vst v63  }
0x52: {  	_ =	swait.ge [sflag:s30], $0x1880  }
0x53: {  	[sflag:s30] =	ssyncset.done $0x0  }
0x54: {  	s9 =	simm.s32 $0xAB80;
	[sflag:s30] =	ssyncadd.s32 $0xFFFFE780  }
0x55: {  	[tilespmem:s9], [sflag:$0x1] =	stream.strided.gather [hbm4b:s11+s31], $0x1880, s1, s31, $0x38;
	[tilespmem:$0x1EF80] =	vst v63  }
0x56: {  	_ =	swait.ge [sflag:s30], $0x1880  }
0x57: {  	[sflag:s30] =	ssyncset.done $0x0  }
0x58: {  	s8 =	simm.s32 $0xC400;
	[sflag:s30] =	ssyncadd.s32 $0xFFFFE780  }
0x59: {  	[tilespmem:s8], [sflag:$0x1] =	stream.strided.gather [hbm4b:s19+s31], $0x1880, s1, s31, $0x38;
	[tilespmem:$0x1EF80] =	vst v63  }
0x5a: {  	_ =	swait.ge [sflag:s30], $0x1880  }
0x5b: {  	[sflag:s30] =	ssyncset.done $0x0  }
0x5c: {  	s9 =	simm.s32 $0xDC80;
	[sflag:s30] =	ssyncadd.s32 $0xFFFFE780  }
0x5d: {  	[tilespmem:s9], [sflag:$0x1] =	stream.strided.gather [hbm4b:s12+s31], $0x1880, s1, s31, $0x38;
	[tilespmem:$0x1EF80] =	vst v63  }
0x5e: {  	_ =	swait.ge [sflag:s30], $0x1880  }
0x5f: {  	[sflag:s30] =	ssyncset.done $0x0  }
0x60: {  	s8 =	simm.s32 $0xF500;
	[sflag:s30] =	ssyncadd.s32 $0xFFFFE780  }
0x61: {  	[tilespmem:s8], [sflag:$0x1] =	stream.strided.gather [hbm4b:s13+s31], $0x1880, s1, s31, $0x38;
	[tilespmem:$0x1EF80] =	vst v63  }
0x62: {  	_ =	swait.ge [sflag:s30], $0x1880  }
0x63: {  	[sflag:s30] =	ssyncset.done $0x0  }
0x64: {  	s9 =	simm.s32 $0x10D80;
	[sflag:s30] =	ssyncadd.s32 $0xFFFFE780  }
0x65: {  	[tilespmem:s9], [sflag:$0x1] =	stream.strided.gather [hbm4b:s14+s31], $0x1880, s1, s31, $0x38;
	[tilespmem:$0x1EF80] =	vst v63  }
0x66: {  	_ =	swait.ge [sflag:s30], $0x1880  }
0x67: {  	[sflag:s30] =	ssyncset.done $0x0  }
0x68: {  	s8 =	simm.s32 $0x12600;
	[sflag:s30] =	ssyncadd.s32 $0xFFFFE780  }
0x69: {  	[tilespmem:s8], [sflag:$0x1] =	stream.strided.gather [hbm4b:s15+s31], $0x1880, s1, s31, $0x38;
	[tilespmem:$0x1EF80] =	vst v63  }
0x6a: {  	_ =	swait.ge [sflag:s30], $0x1880  }
0x6b: {  	[sflag:s30] =	ssyncset.done $0x0  }
0x6c: {  	s9 =	simm.s32 $0x13E80;
	[sflag:s30] =	ssyncadd.s32 $0xFFFFE780  }
0x6d: {  	[tilespmem:s9], [sflag:$0x1] =	stream.strided.gather [hbm4b:s16+s31], $0x1880, s1, s31, $0x38;
	[tilespmem:$0x1EF80] =	vst v63  }
0x6e: {  	_ =	swait.ge [sflag:s30], $0x1880  }
0x6f: {  	[sflag:s30] =	ssyncset.done $0x0  }
0x70: {  	s8 =	simm.s32 $0x15700;
	[sflag:s30] =	ssyncadd.s32 $0xFFFFE780  }
0x71: {  	[tilespmem:s8], [sflag:$0x1] =	stream.strided.gather [hbm4b:s17+s31], $0x1880, s1, s31, $0x38;
	[tilespmem:$0x1EF80] =	vst v63  }
0x72: {  	_ =	swait.ge [sflag:s30], $0x1880  }
0x73: {  	[sflag:s30] =	ssyncset.done $0x0  }
0x74: {  	s9 =	simm.s32 $0x16F80;
	[sflag:s30] =	ssyncadd.s32 $0xFFFFE780  }
0x75: {  	[tilespmem:s9], [sflag:$0x1] =	stream.strided.gather [hbm4b:s18+s31], $0x1880, s1, s31, $0x38;
	[tilespmem:$0x1EF80] =	vst v63  }
0x76: {  	_ =	swait.ge [sflag:s30], $0x1880  }
0x77: {  	[sflag:s30] =	ssyncset.done $0x0  }
0x78: {  	s8 =	sand.u32 $0x1FF0, s6;
	[sflag:s30] =	ssyncadd.s32 $0xFFFFE780  }
0x79: {  	s7 =	simm.s32 $0x10;
	v2 =	vld [tilespmem:s8+$0x1880]  }
.LBB2_8:
0x7a: {  	p0 =	sne.s32 s7, $0x1870;
	v3 =	vld [tilespmem:s6+$0x0];
	_ =	sdelay $0x1  }
0x7b: {  	v4 =	vld [tilespmem:s8+$0x3100];
	_ =	sdelay $0x1  }
0x7c: {  	v5 =	vld [tilespmem:s8+$0x4980]  }
0x7d: {  	v2 =	vadd.f32 v2, v3  }
0x7e: {  	v3 =	vld [tilespmem:s8+$0x6200]  }
0x7f: {  	v2 =	vadd.f32 v4, v2  }
0x80: {  	v4 =	vld [tilespmem:s8+$0x7A80]  }
0x81: {  	v2 =	vadd.f32 v5, v2  }
0x82: {  	v5 =	vld [tilespmem:s8+$0x9300]  }
0x83: {  	v2 =	vadd.f32 v3, v2  }
0x84: {  	v3 =	vld [tilespmem:s8+$0xAB80]  }
0x85: {  	v2 =	vadd.f32 v4, v2  }
0x86: {  	v4 =	vld [tilespmem:s8+$0xC400]  }
0x87: {  	v2 =	vadd.f32 v5, v2  }
0x88: {  	v5 =	vld [tilespmem:s8+$0xDC80]  }
0x89: {  	v2 =	vadd.f32 v3, v2  }
0x8a: {  	v3 =	vld [tilespmem:s8+$0xF500]  }
0x8b: {  	v2 =	vadd.f32 v4, v2  }
0x8c: {  	v4 =	vld [tilespmem:s8+$0x10D80]  }
0x8d: {  	v2 =	vadd.f32 v5, v2  }
0x8e: {  	v5 =	vld [tilespmem:s8+$0x12600]  }
0x8f: {  	v2 =	vadd.f32 v3, v2  }
0x90: {  	v3 =	vld [tilespmem:s8+$0x13E80]  }
0x91: {  	v2 =	vadd.f32 v4, v2  }
0x92: {  	v4 =	vld [tilespmem:s8+$0x15700]  }
0x93: {  	v2 =	vadd.f32 v5, v2  }
0x94: {  	v5 =	vld [tilespmem:s8+$0x16F80]  }
0x95: {  	v2 =	vadd.f32 v3, v2;
	_ =	sdelay $0x1  }
0x96: {  	v2 =	vadd.f32 v4, v2;
	_ =	sdelay $0x1  }
0x97: {  	v2 =	vadd.f32 v5, v2;
	_ =	sdelay $0x1  }
0x98: {  	v2 =	vadd.f32 $1.000000000e+00, v2;
	_ =	sdelay $0x1  }
0x99: {  	v3 =	vmul.f32 $5.000000000e-01, v2;
	v2 =	vshrl.u32 v2, $0x1  }
0x9a: {  	v2 =	vsub.s32 $0x5F3759DF, v2  }
0x9b: {  	v4 =	vmul.f32 v2, v3;
	_ =	sdelay $0x1  }
0x9c: {  	v4 =	vmul.f32 v2, v4;
	_ =	sdelay $0x1  }
0x9d: {  	v4 =	vsub.f32 $1.500000000e+00, v4;
	_ =	sdelay $0x1  }
0x9e: {  	v2 =	vmul.f32 v2, v4;
	_ =	sdelay $0x1  }
0x9f: {  	v4 =	vmul.f32 v2, v3;
	_ =	sdelay $0x1  }
0xa0: {  	v4 =	vmul.f32 v4, v2;
	_ =	sdelay $0x1  }
0xa1: {  	v4 =	vsub.f32 $1.500000000e+00, v4;
	_ =	sdelay $0x1  }
0xa2: {  	v2 =	vmul.f32 v4, v2;
	_ =	sdelay $0x1  }
0xa3: {  	v3 =	vmul.f32 v2, v3;
	_ =	sdelay $0x1  }
0xa4: {  	v3 =	vmul.f32 v3, v2;
	_ =	sdelay $0x1  }
0xa5: {  	v3 =	vsub.f32 $1.500000000e+00, v3  }
.Ltmp3:
0xa6: {  	(pc) =	sbr.rel @p0 .LBB2_8-.Ltmp3, $3  }
0xa7: {  	v2 =	vmul.f32 v3, v2;
	_ =	sdelay $0x1  }
0xa8: {  	s8 =	sand.u32 $0x1FF0, s7;
	[tilespmem:s6+$0x0] =	vst v2  }
0xa9: {  	s7 =	sadd.s32 $0x10, s7;
	s6 =	sadd.s32 $0x10, s6;
	v2 =	vld [tilespmem:s8+$0x1880]  }
0xaa: {  	v3 =	vld [tilespmem:s6+$0x0];
	_ =	sdelay $0x1  }
0xab: {  	v4 =	vld [tilespmem:s8+$0x3100];
	_ =	sdelay $0x1  }
0xac: {  	v5 =	vld [tilespmem:s8+$0x4980]  }
0xad: {  	v2 =	vadd.f32 v2, v3  }
0xae: {  	v3 =	vld [tilespmem:s8+$0x6200]  }
0xaf: {  	v2 =	vadd.f32 v4, v2  }
0xb0: {  	v55 =	vld [tilespmem:s8+$0x7A80]  }
0xb1: {  	v2 =	vadd.f32 v5, v2  }
0xb2: {  	v56 =	vld [tilespmem:s8+$0x9300]  }
0xb3: {  	v2 =	vadd.f32 v3, v2  }
0xb4: {  	v3 =	vld [tilespmem:s8+$0xAB80]  }
0xb5: {  	v2 =	vadd.f32 v55, v2  }
0xb6: {  	v57 =	vld [tilespmem:s8+$0xC400]  }
0xb7: {  	v2 =	vadd.f32 v56, v2  }
0xb8: {  	v58 =	vld [tilespmem:s8+$0xDC80]  }
0xb9: {  	v2 =	vadd.f32 v3, v2  }
0xba: {  	v3 =	vld [tilespmem:s8+$0xF500]  }
0xbb: {  	v2 =	vadd.f32 v57, v2  }
0xbc: {  	v59 =	vld [tilespmem:s8+$0x10D80]  }
0xbd: {  	v2 =	vadd.f32 v58, v2  }
0xbe: {  	v60 =	vld [tilespmem:s8+$0x12600]  }
0xbf: {  	v2 =	vadd.f32 v3, v2  }
0xc0: {  	v3 =	vld [tilespmem:s8+$0x13E80]  }
0xc1: {  	v2 =	vadd.f32 v59, v2  }
0xc2: {  	v61 =	vld [tilespmem:s8+$0x15700]  }
0xc3: {  	v2 =	vadd.f32 v60, v2  }
0xc4: {  	v62 =	vld [tilespmem:s8+$0x16F80]  }
0xc5: {  	v2 =	vadd.f32 v3, v2;
	_ =	sdelay $0x1  }
0xc6: {  	v2 =	vadd.f32 v61, v2;
	_ =	sdelay $0x1  }
0xc7: {  	v2 =	vadd.f32 v62, v2;
	_ =	sdelay $0x1  }
0xc8: {  	v2 =	vadd.f32 $1.000000000e+00, v2;
	_ =	sdelay $0x1  }
0xc9: {  	v3 =	vmul.f32 $5.000000000e-01, v2;
	v2 =	vshrl.u32 v2, $0x1  }
0xca: {  	v2 =	vsub.s32 $0x5F3759DF, v2  }
0xcb: {  	v63 =	vmul.f32 v2, v3;
	_ =	sdelay $0x1  }
0xcc: {  	v4 =	vmul.f32 v2, v63;
	_ =	sdelay $0x1  }
0xcd: {  	v4 =	vsub.f32 $1.500000000e+00, v4;
	_ =	sdelay $0x1  }
0xce: {  	v2 =	vmul.f32 v2, v4;
	_ =	sdelay $0x1  }
0xcf: {  	v4 =	vmul.f32 v2, v3;
	_ =	sdelay $0x1  }
0xd0: {  	v4 =	vmul.f32 v4, v2;
	_ =	sdelay $0x1  }
0xd1: {  	v4 =	vsub.f32 $1.500000000e+00, v4;
	_ =	sdelay $0x1  }
0xd2: {  	v2 =	vmul.f32 v4, v2;
	_ =	sdelay $0x1  }
0xd3: {  	v3 =	vmul.f32 v2, v3;
	_ =	sdelay $0x1  }
0xd4: {  	v3 =	vmul.f32 v3, v2;
	_ =	sdelay $0x1  }
0xd5: {  	v3 =	vsub.f32 $1.500000000e+00, v3;
	_ =	sdelay $0x1  }
0xd6: {  	v2 =	vmul.f32 v3, v2;
	_ =	sdelay $0x1  }
0xd7: {  	[tilespmem:s6+$0x0] =	vst v2;
	s6 =	simm.s32 $0x0  }
0xd8: {  	[spmem:s23] =	stream.linear.scatter [tilespmem:s6], [sflag:$0x1], $0x1880, $0x38;
	[tilespmem:$0x1EF80] =	vst v63  }
0xd9: {  	_ =	swait.ge [sflag:s30], $0x1880  }
0xda: {  	[sflag:s30] =	ssyncset.done $0x0  }
0xdb: {  	[sflag:s30] =	ssyncadd.s32 $0xFFFFE780  }
0xdc: {  	s7 =	simm.s32 $0x40;
	s8 =	simm.s32 $0x0;
	[bflag:$0x0] =	sbarrier.arrive $0xFFFF  }
.LBB2_10:
0xdd: {  	p0 =	sne.s32 s7, $0x61FC0;
	[tilespmem:s8+$0x0] =	vst v0;
	s8 =	smov.u32 s7;
	s7 =	sadd.s32 $0x40, s7  }
.Ltmp4:
0xde: {  	(pc) =	sbr.rel @p0 .LBB2_10-.Ltmp4, $2  }
0xdf: {  	_ =	sdelay $0x2  }
0xe0: {  	s8 =	sshra.s32 s8, $0x2  }
0xe1: {  	[tilespmem:s8+$0x0] =	vst v0  }
.LBB2_12:
0xe2: {  	s7 =	smul.u32 $0x2710, s6;
	_ =	sdelay $0x1  }
0xe3: {  	s7 =	sadd.s32 s24, s7  }
0xe4: {  	s7 =	sshrl.u32 s7, $0x3  }
0xe5: {  	s9 =	simm.s32 $0x0;
	s8 =	sadd.s32 s22, s7  }
0xe6: {  	[tilespmem:s29], [sflag:$0x1] =	stream.linear.gather [hbm4b:s8+s9], $0x2710, $0x38;
	[tilespmem:$0x1EF80] =	vst v63  }
0xe7: {  	_ =	swait.ge [sflag:s30], $0x2710  }
0xe8: {  	[sflag:s30] =	ssyncset.done $0x0  }
0xe9: {  	[sflag:s30] =	ssyncadd.s32 $0xFFFFD8F0  }
0xea: {  	[tilespmem:s4], [sflag:$0x1] =	stream.indirect.gather [spmem:s2], $0x1, s29, s0, $0xb8;
	[tilespmem:$0x1EF80] =	vst v63  }
0xeb: {  	_ =	swait.ge [sflag:s30], $0x2710  }
0xec: {  	[sflag:s30] =	ssyncset.done $0x0  }
0xed: {  	s7 =	sadd.s32 s21, s7;
	[sflag:s30] =	ssyncadd.s32 $0xFFFFD8F0  }
0xee: {  	[tilespmem:s29], [sflag:$0x1] =	stream.linear.gather [hbm4b:s7+s9], $0x2710, $0x38;
	[tilespmem:$0x1EF80] =	vst v63  }
0xef: {  	_ =	swait.ge [sflag:s30], $0x2710  }
0xf0: {  	[sflag:s30] =	ssyncset.done $0x0  }
0xf1: {  	s8 =	simm.s32 $0x0;
	s7 =	simm.s32 $0x40;
	[sflag:s30] =	ssyncadd.s32 $0xFFFFD8F0  }
.LBB2_13:
0xf2: {  	p0 =	sne.s32 s7, $0x9C00;
	v2 =	vld [tilespmem:s8+$0x18800];
	_ =	sdelay $0x2  }
0xf3: {  	v3 =	vld [tilespmem:s8+$0x1AF80]  }
.Ltmp5:
0xf4: {  	(pc) =	sbr.rel @p0 .LBB2_13-.Ltmp5, $2  }
0xf5: {  	_ =	sdelay $0x2  }
0xf6: {  	s8 =	sshra.s32 s7, $0x2;
	s7 =	sadd.s32 $0x40, s7;
	[tilespmem:v2+s3+$0x0] =	vst.idx.add.f32.msk $0xffff, v3  }
0xf7: {  	v2 =	vld [tilespmem:s8+$0x18800];
	_ =	sdelay $0x1  }
0xf8: {  	s6 =	sadd.s32 $0x1, s6  }
0xf9: {  	v3 =	vld [tilespmem:s8+$0x1AF80];
	p0 =	sne.s32 s6, $0x5  }
.Ltmp6:
0xfa: {  	_ = 	snop;
	(pc) =	sbr.rel @p0 .LBB2_12-.Ltmp6, $2  }
0xfb: {  	_ =	sdelay $0x2  }
0xfc: {  	[tilespmem:v2+s3+$0x0] =	vst.idx.add.f32.msk $0xffff, v3  }
0xfd: {  	s5 =	sadd.s32 $0x1, s5  }
0xfe: {  	p0 =	sne.s32 s5, s26  }
.Ltmp7:
0xff: {  	_ = 	snop;
	(pc) =	sbr.rel @p0 .LBB2_1-.Ltmp7, $4  }
0x100: {  	[hbm4b:s25+s31] =	stream.strided.scatter [tilespmem:s3], [sflag:$0x1], $0x18800, s1, s31, $0x38;
	[tilespmem:$0x1EF80] =	vst v63  }
0x101: {  	_ =	swait.ge [sflag:s30], $0x18800  }
0x102: {  	[sflag:s30] =	ssyncset.done $0x0  }
0x103: {  	[sflag:s30] =	ssyncadd.s32 $0xFFFE7800  }
0x104: {  	_ =	sfence.sel $0x180000  }
0x105: {  	[bflag:$0x0] =	sbarrier.arrive $0xFFFF  }
0x106: {  	_ =	strace $0x90000047  }
0x107: {  	s0 =	stileid.u32;
	[bflag:$0x2] =	sbarrier.arrive $0xFFFF  }
0x108: {  	p0 =	sne.s32 s0, $0x0;
	s0 =	rddreg [dreg:$0x2]  }
0x109: {  	s0 =	sadd.s32 @!p0 $0x100000, s0  }
0x10a: {  	[sflag:s0] =	ssyncadd.tile.s32 @!p0 $0x1;
	_ =	shalt  }
.Lfunc_end2:
_tile_overlayer_lowered:
.L_overlay_start_2:
0x10b: {  	(tag) =	ssettag $0x2  }
0x10c: {  	s0 =	rddreg [dreg:$0x0];
	s2 =	stileid.u32  }
0x10d: {  	s1 =	rddreg [dreg:$0x1];
	p0 =	sne.s32 s2, $0x0  }
0x10e: {  	s3 =	rddreg [dreg:$0x2];
	[bflag:$0x3] =	sbarrier.arrive $0xFFFF;
	s2 =	simm.s32 @!p0 $0x1C01  }
0x10f: {  	[timem:s3], [sflag:s2] =	dma.local @!p0 [hbm:s0], s1  }
0x110: {  	s0 =	simm.s32 @!p0 $0x1  }
0x111: {  	_ =	swait.ge @!p0 [sflag:s0], s1  }
0x112: {  	s1 =	ssub.s32 @!p0 $0x0, s1;
	[sflag:s0] =	ssyncset.done @!p0 $0x0  }
0x113: {  	[sflag:s0] =	ssyncadd.s32 @!p0 s1  }
0x114: {  	[bflag:$0x3] =	sbarrier.arrive $0xFFFF  }
0x115: {  	_ =	shalt  }

</sc_bundles>
